<compile_context>
chip_gen: v7x
topology: tpu7x:2x2x1
jax: 0.10.2.dev20260603
libtpu: 0.0.44.dev20260713+nightly
codegen_flags: <defaults>
</compile_context>

<pallas_src>
import functools
import math

import jax
import jax.numpy as jnp
from jax import lax
from jax.experimental import pallas as pl
from jax.experimental.pallas import tpu as pltpu
from jax.experimental.pallas import tpu_sc as plsc

N = 10000
E = 320000
D = 128
H = 128
RANK = 10

NC = 2
NS = 16
K = 80
CH = E // (NC * NS * K)
RPT_STRIDE = 624
RPT_SZ = 640

BLK = 2000

_HI = lax.Precision.DEFAULT


def _lrelu(v):
    return jnp.where(v >= 0, v, 0.01 * v)



@functools.cache
def _sc_segsum_call():
    mesh = plsc.VectorSubcoreMesh(core_axis_name="c", subcore_axis_name="s")

    @functools.partial(
        pl.kernel,
        out_type=jax.ShapeDtypeStruct((NC, N, H), jnp.float32),
        mesh=mesh,
        scratch_types=[
            pltpu.VMEM_SHARED((N, H), jnp.float32),
            pltpu.VMEM((CH * K,), jnp.int32),
            pltpu.VMEM((CH, K), jnp.int32),
            pltpu.VMEM((K, H), jnp.float32),
            pltpu.VMEM((K, H), jnp.float32),
            pltpu.SemaphoreType.DMA,
            pltpu.SemaphoreType.DMA,
            pltpu.SemaphoreType.DMA,
            pltpu.SemaphoreType.DMA,
        ],
    )
    def _sc_segsum(src_hbm, dst_hbm, table_hbm, zeros_hbm, out_hbm,
                   acc, src_v, dst_v, rows0, rows1, gsem0, gsem1,
                   ssem0, ssem1):
        c = lax.axis_index("c")
        s = lax.axis_index("s")
        sl = pl.ds(s * RPT_STRIDE, RPT_SZ)

        def _src_idx(ch):
            return src_v.at[pl.ds(ch * K, K)]

        def _wait_g(rows, sem, ch):
            pltpu.make_async_copy(table_hbm.at[_src_idx(ch)], rows, sem).wait()

        def _wait_s(rows, sem, ch):
            pltpu.make_async_copy(rows, acc.at[dst_v.at[ch]], sem).wait()

        pltpu.sync_copy(src_hbm.at[c, s], src_v)
        pltpu.async_copy(table_hbm.at[_src_idx(0)], rows0, gsem0)
        pltpu.async_copy(table_hbm.at[_src_idx(1)], rows1, gsem1)
        pltpu.sync_copy(dst_hbm.at[c, s], dst_v)
        pltpu.sync_copy(zeros_hbm.at[sl], acc.at[sl])
        plsc.subcore_barrier()

        @pl.loop(0, CH - 1, step=2)
        def _edges(ch):
            _wait_g(rows0, gsem0, ch)
            pltpu.async_copy(rows0, acc.at[dst_v.at[ch]], ssem0, add=True)
            _wait_g(rows1, gsem1, ch + 1)
            pltpu.async_copy(rows1, acc.at[dst_v.at[ch + 1]], ssem1, add=True)

            @pl.when(ch + 2 < CH)
            def _():
                _wait_s(rows0, ssem0, ch)
                pltpu.async_copy(table_hbm.at[_src_idx(ch + 2)], rows0, gsem0)

            @pl.when(ch + 3 < CH)
            def _():
                _wait_s(rows1, ssem1, ch + 1)
                pltpu.async_copy(table_hbm.at[_src_idx(ch + 3)], rows1, gsem1)

        _wait_g(rows0, gsem0, CH - 1)
        pltpu.async_copy(rows0, acc.at[dst_v.at[CH - 1]], ssem0, add=True)
        _wait_s(rows0, ssem0, CH - 1)
        _wait_s(rows1, ssem1, CH - 2)

        plsc.subcore_barrier()
        pltpu.sync_copy(acc.at[sl], out_hbm.at[c, sl])

    return _sc_segsum




def _mod_weight(wvec, aWl, abl, aWr, abr, base_W):
    lT = (jnp.dot(wvec, aWl, precision=_HI) + abl).reshape(RANK, H)
    r = (jnp.dot(wvec, aWr, precision=_HI) + abr).reshape(RANK, H)
    mod = lax.dot_general(lT, r, (((0,), (0,)), ((), ())), precision=_HI)
    Wm = base_W * (mod * (1.0 / math.sqrt(RANK)) + 1.0)
    return Wm / (jnp.sqrt(jnp.sum(Wm * Wm, axis=1, keepdims=True)) + 1e-8)


def _tc_body(p_ref, x_ref, w_ref,
             le_aWl_ref, le_abl_ref, le_aWr_ref, le_abr_ref,
             le_W_ref, le_b_ref,
             cat1_W_ref, cat1_b_ref, node_W_ref, node_b_ref,
             cat2_W_ref, cat2_b_ref,
             f0_aWl_ref, f0_abl_ref, f0_aWr_ref, f0_abr_ref,
             f0_W_ref, f0_b_ref,
             f1_aWl_ref, f1_abl_ref, f1_aWr_ref, f1_abr_ref,
             f1_W_ref, f1_b_ref,
             eb_ref, o_ref, wle_ref, wf0_ref, wf1_ref):
    @pl.when(pl.program_id(0) == 0)
    def _():
        wvec = w_ref[...]
        wle_ref[...] = _mod_weight(wvec, le_aWl_ref[...], le_abl_ref[...],
                                   le_aWr_ref[...], le_abr_ref[...],
                                   le_W_ref[...])
        wf0_ref[...] = _mod_weight(wvec, f0_aWl_ref[...], f0_abl_ref[...],
                                   f0_aWr_ref[...], f0_abr_ref[...],
                                   f0_W_ref[...])
        wf1_ref[...] = _mod_weight(wvec, f1_aWl_ref[...], f1_abl_ref[...],
                                   f1_aWr_ref[...], f1_abr_ref[...],
                                   f1_W_ref[...])

    out0 = p_ref[0] + p_ref[1] + eb_ref[...]
    h = _lrelu(lax.dot_general(out0, wle_ref[...], (((1,), (1,)), ((), ())),
                               precision=_HI) + le_b_ref[...])
    h = h + jnp.dot(h, cat1_W_ref[...], precision=_HI) + cat1_b_ref[...]
    xh = jnp.dot(x_ref[...], node_W_ref[...], precision=_HI) + node_b_ref[...]
    h = h + xh
    h = h + jnp.dot(xh, cat2_W_ref[...], precision=_HI) + cat2_b_ref[...]
    h = _lrelu(h)
    h = _lrelu(lax.dot_general(h, wf0_ref[...], (((1,), (1,)), ((), ())),
                               precision=_HI) + f0_b_ref[...])
    h = _lrelu(lax.dot_general(h, wf1_ref[...], (((1,), (1,)), ((), ())),
                               precision=_HI) + f1_b_ref[...])
    o_ref[...] = h


def _full(shape):
    return pl.BlockSpec(shape, lambda i: tuple(0 for _ in shape))


_TC_IN_SPECS = [
    pl.BlockSpec((NC, BLK, H), lambda i: (0, i, 0)),
    pl.BlockSpec((BLK, D), lambda i: (i, 0)),
    _full((1, D)),
    _full((D, RANK * H)), _full((1, RANK * H)),
    _full((D, RANK * H)), _full((1, RANK * H)),
    _full((H, H)), _full((1, H)),
    _full((H, H)), _full((1, H)),
    _full((D, H)), _full((1, H)),
    _full((H, H)), _full((1, H)),
    _full((D, RANK * H)), _full((1, RANK * H)),
    _full((D, RANK * H)), _full((1, RANK * H)),
    _full((H, H)), _full((1, H)),
    _full((D, RANK * H)), _full((1, RANK * H)),
    _full((D, RANK * H)), _full((1, RANK * H)),
    _full((H, H)), _full((1, H)),
    _full((1, H)),
]

_TC_OUT_SPEC = pl.BlockSpec((BLK, H), lambda i: (i, 0))


def _style_parts(aW, ab):
    half = H * RANK
    aWl = aW[:, :half].reshape(D, H, RANK).transpose(0, 2, 1).reshape(D, half)
    abl = ab[:half].reshape(H, RANK).T.reshape(1, half)
    aWr = aW[:, half:]
    abr = ab[half:].reshape(1, half)
    return aWl, abl, aWr, abr


def kernel(x, edge_index, w, edge_w, edge_b, le_aW, le_ab, le_W, le_b, le_ns,
           node_W, node_b, cat1_W, cat1_b, cat2_W, cat2_b, f0_aW, f0_ab,
           f0_W, f0_b, f0_ns, f1_aW, f1_ab, f1_W, f1_b, f1_ns):
    src = edge_index[0].reshape(NC, NS, CH * K)
    dst = edge_index[1].reshape(NC, NS, CH, K)
    zeros = jnp.zeros((N, H), jnp.float32)
    partials = _sc_segsum_call()(src, dst, edge_w, zeros)

    le_p = _style_parts(le_aW, le_ab)
    f0_p = _style_parts(f0_aW, f0_ab)
    f1_p = _style_parts(f1_aW, f1_ab)

    args = (partials, x, w,
            le_p[0], le_p[1], le_p[2], le_p[3], le_W, le_b.reshape(1, H),
            cat1_W, cat1_b.reshape(1, H), node_W, node_b.reshape(1, H),
            cat2_W, cat2_b.reshape(1, H),
            f0_p[0], f0_p[1], f0_p[2], f0_p[3], f0_W, f0_b.reshape(1, H),
            f1_p[0], f1_p[1], f1_p[2], f1_p[3], f1_W, f1_b.reshape(1, H),
            edge_b.reshape(1, H))
    return pl.pallas_call(
        _tc_body,
        grid=(N // BLK,),
        in_specs=_TC_IN_SPECS,
        out_specs=_TC_OUT_SPEC,
        out_shape=jax.ShapeDtypeStruct((N, H), jnp.float32),
        scratch_shapes=[pltpu.VMEM((H, H), jnp.float32)] * 3,
    )(*args)

# --- scband reference (transcript-rebuilt; emitter-appended) ---
"""Pipeline reference for scband-linkx-69037304316257 (READ-ONLY COPY).

The authoritative reference and input builder live on the scoring server;
editing this copy changes nothing except your own understanding.
"""

import jax, jax.numpy as jnp
import numpy as np

N = 10000
E = 320000
D = 128
H = 128
O = 128
WD = 128
RANK = 10


def _fmm(x, weight, styles):
    c_out, c_in = weight.shape
    left = styles[:c_out * RANK].reshape(c_out, RANK)
    right = styles[c_out * RANK:].reshape(RANK, c_in)
    mod = left @ right / np.sqrt(RANK)
    W = weight * (mod + 1.0)
    W = W / (jnp.linalg.norm(W, axis=1, keepdims=True) + 1e-08)
    return x @ W.T


def _lrelu(x):
    return jnp.where(x >= 0, x, 0.01 * x)


def _synth(x, w, aW, ab, weight, bias, ns, noise):
    styles = (w @ aW + ab)[0]
    h = _fmm(x, weight, styles)
    h = h + bias[None, :]
    h = _lrelu(h)
    return h + noise * ns


def setup_inputs(seed: int = 0):
    key = jax.random.key(seed)
    ks = jax.random.split(key, 30)

    def nrm(i, shape, s=0.05):
        return jax.random.normal(ks[i], shape, dtype=jnp.float32) * s

    sty = (H + H) * RANK
    return {
        'x': jax.random.normal(ks[0], (N, D), dtype=jnp.float32),
        'edge_index': jax.random.randint(ks[1], (2, E), 0, N, dtype=jnp.int32),
        'w': jax.random.normal(ks[2], (1, WD), dtype=jnp.float32),
        'edge_w': nrm(3, (N, H)),
        'edge_b': nrm(4, (H,)),
        'le_aW': nrm(5, (WD, sty)),
        'le_ab': nrm(6, (sty,)),
        'le_W': nrm(7, (H, H)),
        'le_b': nrm(8, (H,)),
        'le_ns': jnp.zeros((), dtype=jnp.float32),
        'node_W': nrm(9, (D, H)),
        'node_b': nrm(10, (H,)),
        'cat1_W': nrm(11, (H, H)),
        'cat1_b': nrm(12, (H,)),
        'cat2_W': nrm(13, (H, H)),
        'cat2_b': nrm(14, (H,)),
        'f0_aW': nrm(15, (WD, sty)),
        'f0_ab': nrm(16, (sty,)),
        'f0_W': nrm(17, (H, H)),
        'f0_b': nrm(18, (H,)),
        'f0_ns': jnp.zeros((), dtype=jnp.float32),
        'f1_aW': nrm(19, (WD, (H + O) * RANK)),
        'f1_ab': nrm(20, ((H + O) * RANK,)),
        'f1_W': nrm(21, (O, H)),
        'f1_b': nrm(22, (O,)),
        'f1_ns': jnp.zeros((), dtype=jnp.float32),
    }


def reference(x, edge_index, w, edge_w, edge_b, le_aW, le_ab, le_W, le_b, le_ns, node_W, node_b, cat1_W, cat1_b, cat2_W, cat2_b, f0_aW, f0_ab, f0_W, f0_b, f0_ns, f1_aW, f1_ab, f1_W, f1_b, f1_ns):
    src = edge_index[0]
    dst = edge_index[1]
    # SparseLinear: gather weight rows at src, scatter-add into dst
    out = jax.ops.segment_sum(edge_w[src], dst, num_segments=N) + edge_b
    nk = jax.random.key(777)
    n0 = jax.random.normal(jax.random.fold_in(nk, 0), (N, H), dtype=jnp.float32)
    out = _synth(out, w, le_aW, le_ab, le_W, le_b, le_ns, n0)
    out = out + (out @ cat1_W + cat1_b)
    xh = x @ node_W + node_b
    out = out + xh
    out = out + (xh @ cat2_W + cat2_b)
    out = _lrelu(out)
    n1 = jax.random.normal(jax.random.fold_in(nk, 1), (N, H), dtype=jnp.float32)
    out = _synth(out, w, f0_aW, f0_ab, f0_W, f0_b, f0_ns, n1)
    n2 = jax.random.normal(jax.random.fold_in(nk, 2), (N, O), dtype=jnp.float32)
    out = _synth(out, w, f1_aW, f1_ab, f1_W, f1_b, f1_ns, n2)
    return out

if __name__ == "__main__":
    import jax
    _d = setup_inputs()
    print(jax.jit(kernel)(*tuple(_d.values())))

</pallas_src>

<mosaic_0001>
#map = affine_map<(d0, d1) -> (0, 0, 0)>
#map1 = affine_map<(d0, d1) -> (0, 0, 0, 0)>
#map2 = affine_map<(d0, d1) -> (0, 0)>
module attributes {stable_mosaic.version = 14 : i64} {
  func.func @_sc_segsum(%arg0: i32, %arg1: i32, %arg2: memref<2x16x10000xi32, #tpu.memory_space<hbm>>, %arg3: memref<2x16x125x80xi32, #tpu.memory_space<hbm>>, %arg4: memref<10000x128xf32, #tpu.memory_space<hbm>>, %arg5: memref<10000x128xf32, #tpu.memory_space<hbm>>, %arg6: memref<2x10000x128xf32, #tpu.memory_space<hbm>>, %arg7: memref<10000x128xf32, #tpu.memory_space<vmem_shared>>, %arg8: memref<10000xi32, #tpu.memory_space<vmem>>, %arg9: memref<125x80xi32, #tpu.memory_space<vmem>>, %arg10: memref<80x128xf32, #tpu.memory_space<vmem>>, %arg11: memref<80x128xf32, #tpu.memory_space<vmem>>, %arg12: memref<!tpu.dma_semaphore, #tpu.memory_space<semaphore_mem>>, %arg13: memref<!tpu.dma_semaphore, #tpu.memory_space<semaphore_mem>>, %arg14: memref<!tpu.dma_semaphore, #tpu.memory_space<semaphore_mem>>, %arg15: memref<!tpu.dma_semaphore, #tpu.memory_space<semaphore_mem>>) attributes {dimension_semantics = [#tpu.dimension_semantics<core_parallel>, #tpu.dimension_semantics<subcore_parallel>], iteration_bounds = array<i64: 2, 16>, scalar_prefetch = 0 : i64, scratch_operands = 9 : i64, tpu.core_type = #tpu.core_type<sc_vector_subcore>, window_params = [{transform_indices = #map}, {transform_indices = #map1}, {transform_indices = #map2}, {transform_indices = #map2}, {transform_indices = #map}]} {
    %mul3A = arith.constant 624 : i32
    %mul3A_0 = arith.muli %arg1, %mul3A : i32
    "tpu.region"() ({
      %run_scoped3A = tpu.sem_alloc : memref<!tpu.dma_semaphore, #tpu.memory_space<semaphore_mem>>
      %dma_start3A_40 = arith.constant 0 : i32
      %dma_start3A_41 = tpu.memref_slice %arg2[%arg0, %arg1, %dma_start3A_40] : memref<2x16x10000xi32, #tpu.memory_space<hbm>> -> memref<1x1x10000xi32, #tpu.memory_space<hbm>>
      %dma_start3A_42 = tpu.memref_squeeze %dma_start3A_41 : memref<1x1x10000xi32, #tpu.memory_space<hbm>> -> memref<10000xi32, #tpu.memory_space<hbm>>
      %dma_start3A_43 = arith.constant 0 : i32
      %dma_start3A_44 = tpu.memref_slice %arg2[%arg0, %arg1, %dma_start3A_43] : memref<2x16x10000xi32, #tpu.memory_space<hbm>> -> memref<1x1x10000xi32, #tpu.memory_space<hbm>>
      %dma_start3A_45 = tpu.memref_squeeze %dma_start3A_44 : memref<1x1x10000xi32, #tpu.memory_space<hbm>> -> memref<10000xi32, #tpu.memory_space<hbm>>
      tpu.enqueue_dma source(%dma_start3A_45 : memref<10000xi32, #tpu.memory_space<hbm>>) target(%arg8 : memref<10000xi32, #tpu.memory_space<vmem>>) target_semaphore(%run_scoped3A : memref<!tpu.dma_semaphore, #tpu.memory_space<semaphore_mem>>)
      %dma_wait3A_46 = arith.constant 0 : i32
      %dma_wait3A_47 = tpu.memref_slice %arg2[%arg0, %arg1, %dma_wait3A_46] : memref<2x16x10000xi32, #tpu.memory_space<hbm>> -> memref<1x1x10000xi32, #tpu.memory_space<hbm>>
      %dma_wait3A_48 = tpu.memref_squeeze %dma_wait3A_47 : memref<1x1x10000xi32, #tpu.memory_space<hbm>> -> memref<10000xi32, #tpu.memory_space<hbm>>
      %dma_wait3A_49 = arith.constant 0 : i32
      %dma_wait3A_50 = tpu.memref_slice %arg2[%arg0, %arg1, %dma_wait3A_49] : memref<2x16x10000xi32, #tpu.memory_space<hbm>> -> memref<1x1x10000xi32, #tpu.memory_space<hbm>>
      %dma_wait3A_51 = tpu.memref_squeeze %dma_wait3A_50 : memref<1x1x10000xi32, #tpu.memory_space<hbm>> -> memref<10000xi32, #tpu.memory_space<hbm>>
      tpu.wait_dma2 semaphore(%run_scoped3A : memref<!tpu.dma_semaphore, #tpu.memory_space<semaphore_mem>>) src(%dma_wait3A_51 : memref<10000xi32, #tpu.memory_space<hbm>>) dst(%arg8 : memref<10000xi32, #tpu.memory_space<vmem>>)
      tpu.yield
    }) : () -> ()
    %dma_start3A = arith.constant 0 : i32
    %dma_start3A_1 = tpu.memref_slice %arg8[%dma_start3A] : memref<10000xi32, #tpu.memory_space<vmem>> -> memref<80xi32, #tpu.memory_space<vmem>>
    %dma_start3A_2 = arith.constant 0 : i32
    %dma_start3A_3 = arith.constant 0 : i32
    %dma_start3A_4 = tpu.memref_slice %arg4[%dma_start3A_2, %dma_start3A_3] : memref<10000x128xf32, #tpu.memory_space<hbm>> -> memref<10000x128xf32, #tpu.memory_space<hbm>>
    tpu.enqueue_indirect_dma source(%dma_start3A_4 : memref<10000x128xf32, #tpu.memory_space<hbm>>) target(%arg10 : memref<80x128xf32, #tpu.memory_space<vmem>>) offsets(%dma_start3A_1 : memref<80xi32, #tpu.memory_space<vmem>>) semaphore(%arg12 : memref<!tpu.dma_semaphore, #tpu.memory_space<semaphore_mem>>)
    %dma_start3A_5 = arith.constant 80 : i32
    %dma_start3A_6 = tpu.memref_slice %arg8[%dma_start3A_5] : memref<10000xi32, #tpu.memory_space<vmem>> -> memref<80xi32, #tpu.memory_space<vmem>>
    %dma_start3A_7 = arith.constant 0 : i32
    %dma_start3A_8 = arith.constant 0 : i32
    %dma_start3A_9 = tpu.memref_slice %arg4[%dma_start3A_7, %dma_start3A_8] : memref<10000x128xf32, #tpu.memory_space<hbm>> -> memref<10000x128xf32, #tpu.memory_space<hbm>>
    tpu.enqueue_indirect_dma source(%dma_start3A_9 : memref<10000x128xf32, #tpu.memory_space<hbm>>) target(%arg11 : memref<80x128xf32, #tpu.memory_space<vmem>>) offsets(%dma_start3A_6 : memref<80xi32, #tpu.memory_space<vmem>>) semaphore(%arg13 : memref<!tpu.dma_semaphore, #tpu.memory_space<semaphore_mem>>)
    "tpu.region"() ({
      %run_scoped3A = tpu.sem_alloc : memref<!tpu.dma_semaphore, #tpu.memory_space<semaphore_mem>>
      %dma_start3A_40 = arith.constant 0 : i32
      %dma_start3A_41 = arith.constant 0 : i32
      %dma_start3A_42 = tpu.memref_slice %arg3[%arg0, %arg1, %dma_start3A_40, %dma_start3A_41] : memref<2x16x125x80xi32, #tpu.memory_space<hbm>> -> memref<1x1x125x80xi32, #tpu.memory_space<hbm>>
      %dma_start3A_43 = tpu.memref_squeeze %dma_start3A_42 : memref<1x1x125x80xi32, #tpu.memory_space<hbm>> -> memref<125x80xi32, #tpu.memory_space<hbm>>
      %dma_start3A_44 = arith.constant 0 : i32
      %dma_start3A_45 = arith.constant 0 : i32
      %dma_start3A_46 = tpu.memref_slice %arg3[%arg0, %arg1, %dma_start3A_44, %dma_start3A_45] : memref<2x16x125x80xi32, #tpu.memory_space<hbm>> -> memref<1x1x125x80xi32, #tpu.memory_space<hbm>>
      %dma_start3A_47 = tpu.memref_squeeze %dma_start3A_46 : memref<1x1x125x80xi32, #tpu.memory_space<hbm>> -> memref<125x80xi32, #tpu.memory_space<hbm>>
      tpu.enqueue_dma source(%dma_start3A_47 : memref<125x80xi32, #tpu.memory_space<hbm>>) target(%arg9 : memref<125x80xi32, #tpu.memory_space<vmem>>) target_semaphore(%run_scoped3A : memref<!tpu.dma_semaphore, #tpu.memory_space<semaphore_mem>>)
      %dma_wait3A_48 = arith.constant 0 : i32
      %dma_wait3A_49 = arith.constant 0 : i32
      %dma_wait3A_50 = tpu.memref_slice %arg3[%arg0, %arg1, %dma_wait3A_48, %dma_wait3A_49] : memref<2x16x125x80xi32, #tpu.memory_space<hbm>> -> memref<1x1x125x80xi32, #tpu.memory_space<hbm>>
      %dma_wait3A_51 = tpu.memref_squeeze %dma_wait3A_50 : memref<1x1x125x80xi32, #tpu.memory_space<hbm>> -> memref<125x80xi32, #tpu.memory_space<hbm>>
      %dma_wait3A_52 = arith.constant 0 : i32
      %dma_wait3A_53 = arith.constant 0 : i32
      %dma_wait3A_54 = tpu.memref_slice %arg3[%arg0, %arg1, %dma_wait3A_52, %dma_wait3A_53] : memref<2x16x125x80xi32, #tpu.memory_space<hbm>> -> memref<1x1x125x80xi32, #tpu.memory_space<hbm>>
      %dma_wait3A_55 = tpu.memref_squeeze %dma_wait3A_54 : memref<1x1x125x80xi32, #tpu.memory_space<hbm>> -> memref<125x80xi32, #tpu.memory_space<hbm>>
      tpu.wait_dma2 semaphore(%run_scoped3A : memref<!tpu.dma_semaphore, #tpu.memory_space<semaphore_mem>>) src(%dma_wait3A_55 : memref<125x80xi32, #tpu.memory_space<hbm>>) dst(%arg9 : memref<125x80xi32, #tpu.memory_space<vmem>>)
      tpu.yield
    }) : () -> ()
    "tpu.region"() ({
      %run_scoped3A = tpu.sem_alloc : memref<!tpu.dma_semaphore, #tpu.memory_space<semaphore_mem>>
      %dma_start3A_40 = arith.constant 0 : i32
      %dma_start3A_41 = tpu.memref_slice %arg7[%mul3A_0, %dma_start3A_40] : memref<10000x128xf32, #tpu.memory_space<vmem_shared>> -> memref<640x128xf32, #tpu.memory_space<vmem_shared>>
      %dma_start3A_42 = arith.constant 0 : i32
      %dma_start3A_43 = tpu.memref_slice %arg5[%mul3A_0, %dma_start3A_42] : memref<10000x128xf32, #tpu.memory_space<hbm>> -> memref<640x128xf32, #tpu.memory_space<hbm>>
      tpu.enqueue_dma source(%dma_start3A_43 : memref<640x128xf32, #tpu.memory_space<hbm>>) target(%dma_start3A_41 : memref<640x128xf32, #tpu.memory_space<vmem_shared>>) target_semaphore(%run_scoped3A : memref<!tpu.dma_semaphore, #tpu.memory_space<semaphore_mem>>)
      %dma_wait3A_44 = arith.constant 0 : i32
      %dma_wait3A_45 = tpu.memref_slice %arg7[%mul3A_0, %dma_wait3A_44] : memref<10000x128xf32, #tpu.memory_space<vmem_shared>> -> memref<640x128xf32, #tpu.memory_space<vmem_shared>>
      %dma_wait3A_46 = arith.constant 0 : i32
      %dma_wait3A_47 = tpu.memref_slice %arg5[%mul3A_0, %dma_wait3A_46] : memref<10000x128xf32, #tpu.memory_space<hbm>> -> memref<640x128xf32, #tpu.memory_space<hbm>>
      tpu.wait_dma2 semaphore(%run_scoped3A : memref<!tpu.dma_semaphore, #tpu.memory_space<semaphore_mem>>) src(%dma_wait3A_47 : memref<640x128xf32, #tpu.memory_space<hbm>>) dst(%dma_wait3A_45 : memref<640x128xf32, #tpu.memory_space<vmem_shared>>)
      tpu.yield
    }) : () -> ()
    %barrier3A = arith.constant 0 : index
    tpu.barrier barrier_id(%barrier3A)
    %scan3A = arith.constant 0 : i32
    %scan3A_10 = arith.constant 62 : i32
    %scan3A_11 = arith.addi %scan3A, %scan3A_10 : i32
    %scan3A_12 = arith.constant 1 : i32
    scf.for %scan3A_40 = %scan3A to %scan3A_11 step %scan3A_12  : i32 {
      %mul3A_41 = arith.constant 2 : i32
      %mul3A_42 = arith.muli %scan3A_40, %mul3A_41 : i32
      %add3A = arith.constant 0 : i32
      %add3A_43 = arith.addi %add3A, %mul3A_42 : i32
      %mul3A_44 = arith.constant 80 : i32
      %mul3A_45 = arith.muli %add3A_43, %mul3A_44 : i32
      %dma_wait3A_46 = tpu.memref_slice %arg8[%mul3A_45] : memref<10000xi32, #tpu.memory_space<vmem>> -> memref<80xi32, #tpu.memory_space<vmem>>
      %dma_wait3A_47 = arith.constant 0 : i32
      %dma_wait3A_48 = arith.constant 0 : i32
      %dma_wait3A_49 = tpu.memref_slice %arg4[%dma_wait3A_47, %dma_wait3A_48] : memref<10000x128xf32, #tpu.memory_space<hbm>> -> memref<10000x128xf32, #tpu.memory_space<hbm>>
      tpu.wait_indirect_dma semaphore(%arg12 : memref<!tpu.dma_semaphore, #tpu.memory_space<semaphore_mem>>) src(%dma_wait3A_49 : memref<10000x128xf32, #tpu.memory_space<hbm>>) dst(%arg10 : memref<80x128xf32, #tpu.memory_space<vmem>>)
      %dma_start3A_50 = arith.constant 0 : i32
      %dma_start3A_51 = tpu.memref_slice %arg9[%add3A_43, %dma_start3A_50] : memref<125x80xi32, #tpu.memory_space<vmem>> -> memref<1x80xi32, #tpu.memory_space<vmem>>
      %dma_start3A_52 = tpu.memref_squeeze %dma_start3A_51 : memref<1x80xi32, #tpu.memory_space<vmem>> -> memref<80xi32, #tpu.memory_space<vmem>>
      %dma_start3A_53 = arith.constant 0 : i32
      %dma_start3A_54 = arith.constant 0 : i32
      %dma_start3A_55 = tpu.memref_slice %arg7[%dma_start3A_53, %dma_start3A_54] : memref<10000x128xf32, #tpu.memory_space<vmem_shared>> -> memref<10000x128xf32, #tpu.memory_space<vmem_shared>>
      tpu.enqueue_indirect_dma source(%arg10 : memref<80x128xf32, #tpu.memory_space<vmem>>) target(%dma_start3A_55 : memref<10000x128xf32, #tpu.memory_space<vmem_shared>>) offsets(%dma_start3A_52 : memref<80xi32, #tpu.memory_space<vmem>>) semaphore(%arg14 : memref<!tpu.dma_semaphore, #tpu.memory_space<semaphore_mem>>) {add = true}
      %add3A_56 = arith.constant 1 : i32
      %add3A_57 = arith.addi %add3A_43, %add3A_56 : i32
      %mul3A_58 = arith.constant 80 : i32
      %mul3A_59 = arith.muli %add3A_57, %mul3A_58 : i32
      %dma_wait3A_60 = tpu.memref_slice %arg8[%mul3A_59] : memref<10000xi32, #tpu.memory_space<vmem>> -> memref<80xi32, #tpu.memory_space<vmem>>
      %dma_wait3A_61 = arith.constant 0 : i32
      %dma_wait3A_62 = arith.constant 0 : i32
      %dma_wait3A_63 = tpu.memref_slice %arg4[%dma_wait3A_61, %dma_wait3A_62] : memref<10000x128xf32, #tpu.memory_space<hbm>> -> memref<10000x128xf32, #tpu.memory_space<hbm>>
      tpu.wait_indirect_dma semaphore(%arg13 : memref<!tpu.dma_semaphore, #tpu.memory_space<semaphore_mem>>) src(%dma_wait3A_63 : memref<10000x128xf32, #tpu.memory_space<hbm>>) dst(%arg11 : memref<80x128xf32, #tpu.memory_space<vmem>>)
      %add3A_64 = arith.constant 1 : i32
      %add3A_65 = arith.addi %add3A_43, %add3A_64 : i32
      %dma_start3A_66 = arith.constant 0 : i32
      %dma_start3A_67 = tpu.memref_slice %arg9[%add3A_65, %dma_start3A_66] : memref<125x80xi32, #tpu.memory_space<vmem>> -> memref<1x80xi32, #tpu.memory_space<vmem>>
      %dma_start3A_68 = tpu.memref_squeeze %dma_start3A_67 : memref<1x80xi32, #tpu.memory_space<vmem>> -> memref<80xi32, #tpu.memory_space<vmem>>
      %dma_start3A_69 = arith.constant 0 : i32
      %dma_start3A_70 = arith.constant 0 : i32
      %dma_start3A_71 = tpu.memref_slice %arg7[%dma_start3A_69, %dma_start3A_70] : memref<10000x128xf32, #tpu.memory_space<vmem_shared>> -> memref<10000x128xf32, #tpu.memory_space<vmem_shared>>
      tpu.enqueue_indirect_dma source(%arg11 : memref<80x128xf32, #tpu.memory_space<vmem>>) target(%dma_start3A_71 : memref<10000x128xf32, #tpu.memory_space<vmem_shared>>) offsets(%dma_start3A_68 : memref<80xi32, #tpu.memory_space<vmem>>) semaphore(%arg15 : memref<!tpu.dma_semaphore, #tpu.memory_space<semaphore_mem>>) {add = true}
      %add3A_72 = arith.constant 2 : i32
      %add3A_73 = arith.addi %add3A_43, %add3A_72 : i32
      %lt3A = arith.constant 125 : i32
      %lt3A_74 = arith.cmpi slt, %add3A_73, %lt3A : i32
      %convert_element_type3A = arith.extui %lt3A_74 : i1 to i32
      %cond3A = arith.constant 0 : i32
      %cond3A_75 = arith.cmpi ne, %convert_element_type3A, %cond3A : i32
      scf.if %cond3A_75 {
        %dma_wait3A_83 = arith.constant 0 : i32
        %dma_wait3A_84 = tpu.memref_slice %arg9[%add3A_43, %dma_wait3A_83] : memref<125x80xi32, #tpu.memory_space<vmem>> -> memref<1x80xi32, #tpu.memory_space<vmem>>
        %dma_wait3A_85 = tpu.memref_squeeze %dma_wait3A_84 : memref<1x80xi32, #tpu.memory_space<vmem>> -> memref<80xi32, #tpu.memory_space<vmem>>
        %dma_wait3A_86 = arith.constant 0 : i32
        %dma_wait3A_87 = arith.constant 0 : i32
        %dma_wait3A_88 = tpu.memref_slice %arg7[%dma_wait3A_86, %dma_wait3A_87] : memref<10000x128xf32, #tpu.memory_space<vmem_shared>> -> memref<10000x128xf32, #tpu.memory_space<vmem_shared>>
        tpu.wait_indirect_dma semaphore(%arg14 : memref<!tpu.dma_semaphore, #tpu.memory_space<semaphore_mem>>) src(%arg10 : memref<80x128xf32, #tpu.memory_space<vmem>>) dst(%dma_wait3A_88 : memref<10000x128xf32, #tpu.memory_space<vmem_shared>>)
        %add3A_89 = arith.constant 2 : i32
        %add3A_90 = arith.addi %add3A_43, %add3A_89 : i32
        %mul3A_91 = arith.constant 80 : i32
        %mul3A_92 = arith.muli %add3A_90, %mul3A_91 : i32
        %dma_start3A_93 = tpu.memref_slice %arg8[%mul3A_92] : memref<10000xi32, #tpu.memory_space<vmem>> -> memref<80xi32, #tpu.memory_space<vmem>>
        %dma_start3A_94 = arith.constant 0 : i32
        %dma_start3A_95 = arith.constant 0 : i32
        %dma_start3A_96 = tpu.memref_slice %arg4[%dma_start3A_94, %dma_start3A_95] : memref<10000x128xf32, #tpu.memory_space<hbm>> -> memref<10000x128xf32, #tpu.memory_space<hbm>>
        tpu.enqueue_indirect_dma source(%dma_start3A_96 : memref<10000x128xf32, #tpu.memory_space<hbm>>) target(%arg10 : memref<80x128xf32, #tpu.memory_space<vmem>>) offsets(%dma_start3A_93 : memref<80xi32, #tpu.memory_space<vmem>>) semaphore(%arg12 : memref<!tpu.dma_semaphore, #tpu.memory_space<semaphore_mem>>)
      } else {
      }
      %add3A_76 = arith.constant 3 : i32
      %add3A_77 = arith.addi %add3A_43, %add3A_76 : i32
      %lt3A_78 = arith.constant 125 : i32
      %lt3A_79 = arith.cmpi slt, %add3A_77, %lt3A_78 : i32
      %convert_element_type3A_80 = arith.extui %lt3A_79 : i1 to i32
      %cond3A_81 = arith.constant 0 : i32
      %cond3A_82 = arith.cmpi ne, %convert_element_type3A_80, %cond3A_81 : i32
      scf.if %cond3A_82 {
        %add3A_83 = arith.constant 1 : i32
        %add3A_84 = arith.addi %add3A_43, %add3A_83 : i32
        %dma_wait3A_85 = arith.constant 0 : i32
        %dma_wait3A_86 = tpu.memref_slice %arg9[%add3A_84, %dma_wait3A_85] : memref<125x80xi32, #tpu.memory_space<vmem>> -> memref<1x80xi32, #tpu.memory_space<vmem>>
        %dma_wait3A_87 = tpu.memref_squeeze %dma_wait3A_86 : memref<1x80xi32, #tpu.memory_space<vmem>> -> memref<80xi32, #tpu.memory_space<vmem>>
        %dma_wait3A_88 = arith.constant 0 : i32
        %dma_wait3A_89 = arith.constant 0 : i32
        %dma_wait3A_90 = tpu.memref_slice %arg7[%dma_wait3A_88, %dma_wait3A_89] : memref<10000x128xf32, #tpu.memory_space<vmem_shared>> -> memref<10000x128xf32, #tpu.memory_space<vmem_shared>>
        tpu.wait_indirect_dma semaphore(%arg15 : memref<!tpu.dma_semaphore, #tpu.memory_space<semaphore_mem>>) src(%arg11 : memref<80x128xf32, #tpu.memory_space<vmem>>) dst(%dma_wait3A_90 : memref<10000x128xf32, #tpu.memory_space<vmem_shared>>)
        %add3A_91 = arith.constant 3 : i32
        %add3A_92 = arith.addi %add3A_43, %add3A_91 : i32
        %mul3A_93 = arith.constant 80 : i32
        %mul3A_94 = arith.muli %add3A_92, %mul3A_93 : i32
        %dma_start3A_95 = tpu.memref_slice %arg8[%mul3A_94] : memref<10000xi32, #tpu.memory_space<vmem>> -> memref<80xi32, #tpu.memory_space<vmem>>
        %dma_start3A_96 = arith.constant 0 : i32
        %dma_start3A_97 = arith.constant 0 : i32
        %dma_start3A_98 = tpu.memref_slice %arg4[%dma_start3A_96, %dma_start3A_97] : memref<10000x128xf32, #tpu.memory_space<hbm>> -> memref<10000x128xf32, #tpu.memory_space<hbm>>
        tpu.enqueue_indirect_dma source(%dma_start3A_98 : memref<10000x128xf32, #tpu.memory_space<hbm>>) target(%arg11 : memref<80x128xf32, #tpu.memory_space<vmem>>) offsets(%dma_start3A_95 : memref<80xi32, #tpu.memory_space<vmem>>) semaphore(%arg13 : memref<!tpu.dma_semaphore, #tpu.memory_space<semaphore_mem>>)
      } else {
      }
    }
    %scan3A_13 = arith.constant 62 : i32
    %dma_wait3A = arith.constant 9920 : i32
    %dma_wait3A_14 = tpu.memref_slice %arg8[%dma_wait3A] : memref<10000xi32, #tpu.memory_space<vmem>> -> memref<80xi32, #tpu.memory_space<vmem>>
    %dma_wait3A_15 = arith.constant 0 : i32
    %dma_wait3A_16 = arith.constant 0 : i32
    %dma_wait3A_17 = tpu.memref_slice %arg4[%dma_wait3A_15, %dma_wait3A_16] : memref<10000x128xf32, #tpu.memory_space<hbm>> -> memref<10000x128xf32, #tpu.memory_space<hbm>>
    tpu.wait_indirect_dma semaphore(%arg12 : memref<!tpu.dma_semaphore, #tpu.memory_space<semaphore_mem>>) src(%dma_wait3A_17 : memref<10000x128xf32, #tpu.memory_space<hbm>>) dst(%arg10 : memref<80x128xf32, #tpu.memory_space<vmem>>)
    %dma_start3A_18 = arith.constant 124 : i32
    %dma_start3A_19 = arith.constant 0 : i32
    %dma_start3A_20 = tpu.memref_slice %arg9[%dma_start3A_18, %dma_start3A_19] : memref<125x80xi32, #tpu.memory_space<vmem>> -> memref<1x80xi32, #tpu.memory_space<vmem>>
    %dma_start3A_21 = tpu.memref_squeeze %dma_start3A_20 : memref<1x80xi32, #tpu.memory_space<vmem>> -> memref<80xi32, #tpu.memory_space<vmem>>
    %dma_start3A_22 = arith.constant 0 : i32
    %dma_start3A_23 = arith.constant 0 : i32
    %dma_start3A_24 = tpu.memref_slice %arg7[%dma_start3A_22, %dma_start3A_23] : memref<10000x128xf32, #tpu.memory_space<vmem_shared>> -> memref<10000x128xf32, #tpu.memory_space<vmem_shared>>
    tpu.enqueue_indirect_dma source(%arg10 : memref<80x128xf32, #tpu.memory_space<vmem>>) target(%dma_start3A_24 : memref<10000x128xf32, #tpu.memory_space<vmem_shared>>) offsets(%dma_start3A_21 : memref<80xi32, #tpu.memory_space<vmem>>) semaphore(%arg14 : memref<!tpu.dma_semaphore, #tpu.memory_space<semaphore_mem>>) {add = true}
    %dma_wait3A_25 = arith.constant 124 : i32
    %dma_wait3A_26 = arith.constant 0 : i32
    %dma_wait3A_27 = tpu.memref_slice %arg9[%dma_wait3A_25, %dma_wait3A_26] : memref<125x80xi32, #tpu.memory_space<vmem>> -> memref<1x80xi32, #tpu.memory_space<vmem>>
    %dma_wait3A_28 = tpu.memref_squeeze %dma_wait3A_27 : memref<1x80xi32, #tpu.memory_space<vmem>> -> memref<80xi32, #tpu.memory_space<vmem>>
    %dma_wait3A_29 = arith.constant 0 : i32
    %dma_wait3A_30 = arith.constant 0 : i32
    %dma_wait3A_31 = tpu.memref_slice %arg7[%dma_wait3A_29, %dma_wait3A_30] : memref<10000x128xf32, #tpu.memory_space<vmem_shared>> -> memref<10000x128xf32, #tpu.memory_space<vmem_shared>>
    tpu.wait_indirect_dma semaphore(%arg14 : memref<!tpu.dma_semaphore, #tpu.memory_space<semaphore_mem>>) src(%arg10 : memref<80x128xf32, #tpu.memory_space<vmem>>) dst(%dma_wait3A_31 : memref<10000x128xf32, #tpu.memory_space<vmem_shared>>)
    %dma_wait3A_32 = arith.constant 123 : i32
    %dma_wait3A_33 = arith.constant 0 : i32
    %dma_wait3A_34 = tpu.memref_slice %arg9[%dma_wait3A_32, %dma_wait3A_33] : memref<125x80xi32, #tpu.memory_space<vmem>> -> memref<1x80xi32, #tpu.memory_space<vmem>>
    %dma_wait3A_35 = tpu.memref_squeeze %dma_wait3A_34 : memref<1x80xi32, #tpu.memory_space<vmem>> -> memref<80xi32, #tpu.memory_space<vmem>>
    %dma_wait3A_36 = arith.constant 0 : i32
    %dma_wait3A_37 = arith.constant 0 : i32
    %dma_wait3A_38 = tpu.memref_slice %arg7[%dma_wait3A_36, %dma_wait3A_37] : memref<10000x128xf32, #tpu.memory_space<vmem_shared>> -> memref<10000x128xf32, #tpu.memory_space<vmem_shared>>
    tpu.wait_indirect_dma semaphore(%arg15 : memref<!tpu.dma_semaphore, #tpu.memory_space<semaphore_mem>>) src(%arg11 : memref<80x128xf32, #tpu.memory_space<vmem>>) dst(%dma_wait3A_38 : memref<10000x128xf32, #tpu.memory_space<vmem_shared>>)
    %barrier3A_39 = arith.constant 0 : index
    tpu.barrier barrier_id(%barrier3A_39)
    "tpu.region"() ({
      %run_scoped3A = tpu.sem_alloc : memref<!tpu.dma_semaphore, #tpu.memory_space<semaphore_mem>>
      %dma_start3A_40 = arith.constant 0 : i32
      %dma_start3A_41 = tpu.memref_slice %arg6[%arg0, %mul3A_0, %dma_start3A_40] : memref<2x10000x128xf32, #tpu.memory_space<hbm>> -> memref<1x640x128xf32, #tpu.memory_space<hbm>>
      %dma_start3A_42 = tpu.memref_squeeze %dma_start3A_41 : memref<1x640x128xf32, #tpu.memory_space<hbm>> -> memref<640x128xf32, #tpu.memory_space<hbm>>
      %dma_start3A_43 = arith.constant 0 : i32
      %dma_start3A_44 = tpu.memref_slice %arg7[%mul3A_0, %dma_start3A_43] : memref<10000x128xf32, #tpu.memory_space<vmem_shared>> -> memref<640x128xf32, #tpu.memory_space<vmem_shared>>
      tpu.enqueue_dma source(%dma_start3A_44 : memref<640x128xf32, #tpu.memory_space<vmem_shared>>) target(%dma_start3A_42 : memref<640x128xf32, #tpu.memory_space<hbm>>) target_semaphore(%run_scoped3A : memref<!tpu.dma_semaphore, #tpu.memory_space<semaphore_mem>>)
      %dma_wait3A_45 = arith.constant 0 : i32
      %dma_wait3A_46 = tpu.memref_slice %arg6[%arg0, %mul3A_0, %dma_wait3A_45] : memref<2x10000x128xf32, #tpu.memory_space<hbm>> -> memref<1x640x128xf32, #tpu.memory_space<hbm>>
      %dma_wait3A_47 = tpu.memref_squeeze %dma_wait3A_46 : memref<1x640x128xf32, #tpu.memory_space<hbm>> -> memref<640x128xf32, #tpu.memory_space<hbm>>
      %dma_wait3A_48 = arith.constant 0 : i32
      %dma_wait3A_49 = tpu.memref_slice %arg7[%mul3A_0, %dma_wait3A_48] : memref<10000x128xf32, #tpu.memory_space<vmem_shared>> -> memref<640x128xf32, #tpu.memory_space<vmem_shared>>
      tpu.wait_dma2 semaphore(%run_scoped3A : memref<!tpu.dma_semaphore, #tpu.memory_space<semaphore_mem>>) src(%dma_wait3A_49 : memref<640x128xf32, #tpu.memory_space<vmem_shared>>) dst(%dma_wait3A_47 : memref<640x128xf32, #tpu.memory_space<hbm>>)
      tpu.yield
    }) : () -> ()
    return
  }
}

module attributes {stable_mosaic.version = 14 : i64} {
  func.func @_tc_body(%arg0: i32, %arg1: memref<2x2000x128xf32, #tpu.memory_space<vmem>>, %arg2: memref<2000x128xf32, #tpu.memory_space<vmem>>, %arg3: memref<1x128xf32, #tpu.memory_space<vmem>>, %arg4: memref<128x1280xf32, #tpu.memory_space<vmem>>, %arg5: memref<1x1280xf32, #tpu.memory_space<vmem>>, %arg6: memref<128x1280xf32, #tpu.memory_space<vmem>>, %arg7: memref<1x1280xf32, #tpu.memory_space<vmem>>, %arg8: memref<128x128xf32, #tpu.memory_space<vmem>>, %arg9: memref<1x128xf32, #tpu.memory_space<vmem>>, %arg10: memref<128x128xf32, #tpu.memory_space<vmem>>, %arg11: memref<1x128xf32, #tpu.memory_space<vmem>>, %arg12: memref<128x128xf32, #tpu.memory_space<vmem>>, %arg13: memref<1x128xf32, #tpu.memory_space<vmem>>, %arg14: memref<128x128xf32, #tpu.memory_space<vmem>>, %arg15: memref<1x128xf32, #tpu.memory_space<vmem>>, %arg16: memref<128x1280xf32, #tpu.memory_space<vmem>>, %arg17: memref<1x1280xf32, #tpu.memory_space<vmem>>, %arg18: memref<128x1280xf32, #tpu.memory_space<vmem>>, %arg19: memref<1x1280xf32, #tpu.memory_space<vmem>>, %arg20: memref<128x128xf32, #tpu.memory_space<vmem>>, %arg21: memref<1x128xf32, #tpu.memory_space<vmem>>, %arg22: memref<128x1280xf32, #tpu.memory_space<vmem>>, %arg23: memref<1x1280xf32, #tpu.memory_space<vmem>>, %arg24: memref<128x1280xf32, #tpu.memory_space<vmem>>, %arg25: memref<1x1280xf32, #tpu.memory_space<vmem>>, %arg26: memref<128x128xf32, #tpu.memory_space<vmem>>, %arg27: memref<1x128xf32, #tpu.memory_space<vmem>>, %arg28: memref<1x128xf32, #tpu.memory_space<vmem>>, %arg29: memref<2000x128xf32, #tpu.memory_space<vmem>>, %arg30: memref<128x128xf32, #tpu.memory_space<vmem>>, %arg31: memref<128x128xf32, #tpu.memory_space<vmem>>, %arg32: memref<128x128xf32, #tpu.memory_space<vmem>>) attributes {dimension_semantics = [#tpu.dimension_semantics<arbitrary>], iteration_bounds = array<i64: 5>, scalar_prefetch = 0 : i64, scratch_operands = 3 : i64, tpu.core_type = #tpu.core_type<tc>, window_params = [{transform_indices = @transform_0, window_bounds = array<i64: 2, 2000, 128>}, {transform_indices = @transform_1, window_bounds = array<i64: 2000, 128>}, {pipeline_mode = #tpu.pipeline_mode<synchronous>, transform_indices = @transform_2, window_bounds = array<i64: 1, 128>}, {pipeline_mode = #tpu.pipeline_mode<synchronous>, transform_indices = @transform_3, window_bounds = array<i64: 128, 1280>}, {pipeline_mode = #tpu.pipeline_mode<synchronous>, transform_indices = @transform_4, window_bounds = array<i64: 1, 1280>}, {pipeline_mode = #tpu.pipeline_mode<synchronous>, transform_indices = @transform_5, window_bounds = array<i64: 128, 1280>}, {pipeline_mode = #tpu.pipeline_mode<synchronous>, transform_indices = @transform_6, window_bounds = array<i64: 1, 1280>}, {pipeline_mode = #tpu.pipeline_mode<synchronous>, transform_indices = @transform_7, window_bounds = array<i64: 128, 128>}, {pipeline_mode = #tpu.pipeline_mode<synchronous>, transform_indices = @transform_8, window_bounds = array<i64: 1, 128>}, {pipeline_mode = #tpu.pipeline_mode<synchronous>, transform_indices = @transform_9, window_bounds = array<i64: 128, 128>}, {pipeline_mode = #tpu.pipeline_mode<synchronous>, transform_indices = @transform_10, window_bounds = array<i64: 1, 128>}, {pipeline_mode = #tpu.pipeline_mode<synchronous>, transform_indices = @transform_11, window_bounds = array<i64: 128, 128>}, {pipeline_mode = #tpu.pipeline_mode<synchronous>, transform_indices = @transform_12, window_bounds = array<i64: 1, 128>}, {pipeline_mode = #tpu.pipeline_mode<synchronous>, transform_indices = @transform_13, window_bounds = array<i64: 128, 128>}, {pipeline_mode = #tpu.pipeline_mode<synchronous>, transform_indices = @transform_14, window_bounds = array<i64: 1, 128>}, {pipeline_mode = #tpu.pipeline_mode<synchronous>, transform_indices = @transform_15, window_bounds = array<i64: 128, 1280>}, {pipeline_mode = #tpu.pipeline_mode<synchronous>, transform_indices = @transform_16, window_bounds = array<i64: 1, 1280>}, {pipeline_mode = #tpu.pipeline_mode<synchronous>, transform_indices = @transform_17, window_bounds = array<i64: 128, 1280>}, {pipeline_mode = #tpu.pipeline_mode<synchronous>, transform_indices = @transform_18, window_bounds = array<i64: 1, 1280>}, {pipeline_mode = #tpu.pipeline_mode<synchronous>, transform_indices = @transform_19, window_bounds = array<i64: 128, 128>}, {pipeline_mode = #tpu.pipeline_mode<synchronous>, transform_indices = @transform_20, window_bounds = array<i64: 1, 128>}, {pipeline_mode = #tpu.pipeline_mode<synchronous>, transform_indices = @transform_21, window_bounds = array<i64: 128, 1280>}, {pipeline_mode = #tpu.pipeline_mode<synchronous>, transform_indices = @transform_22, window_bounds = array<i64: 1, 1280>}, {pipeline_mode = #tpu.pipeline_mode<synchronous>, transform_indices = @transform_23, window_bounds = array<i64: 128, 1280>}, {pipeline_mode = #tpu.pipeline_mode<synchronous>, transform_indices = @transform_24, window_bounds = array<i64: 1, 1280>}, {pipeline_mode = #tpu.pipeline_mode<synchronous>, transform_indices = @transform_25, window_bounds = array<i64: 128, 128>}, {pipeline_mode = #tpu.pipeline_mode<synchronous>, transform_indices = @transform_26, window_bounds = array<i64: 1, 128>}, {pipeline_mode = #tpu.pipeline_mode<synchronous>, transform_indices = @transform_27, window_bounds = array<i64: 1, 128>}, {transform_indices = @transform_28, window_bounds = array<i64: 2000, 128>}]} {
    %eq3A = arith.constant 0 : i32
    %eq3A_0 = arith.cmpi eq, %arg0, %eq3A : i32
    %convert_element_type3A = arith.extui %eq3A_0 : i1 to i32
    %cond3A = arith.constant 0 : i32
    %cond3A_1 = arith.cmpi ne, %convert_element_type3A, %cond3A : i32
    scf.if %cond3A_1 {
      %get3A_108 = arith.constant 0 : index
      %get3A_109 = arith.constant 0 : index
      %get3A_110 = vector.load %arg3[%get3A_108, %get3A_109] : memref<1x128xf32, #tpu.memory_space<vmem>>, vector<1x128xf32>
      %get3A_111 = arith.constant 0 : index
      %get3A_112 = arith.constant 0 : index
      %get3A_113 = vector.load %arg4[%get3A_111, %get3A_112] : memref<128x1280xf32, #tpu.memory_space<vmem>>, vector<128x1280xf32>
      %get3A_114 = arith.constant 0 : index
      %get3A_115 = arith.constant 0 : index
      %get3A_116 = vector.load %arg5[%get3A_114, %get3A_115] : memref<1x1280xf32, #tpu.memory_space<vmem>>, vector<1x1280xf32>
      %get3A_117 = arith.constant 0 : index
      %get3A_118 = arith.constant 0 : index
      %get3A_119 = vector.load %arg6[%get3A_117, %get3A_118] : memref<128x1280xf32, #tpu.memory_space<vmem>>, vector<128x1280xf32>
      %get3A_120 = arith.constant 0 : index
      %get3A_121 = arith.constant 0 : index
      %get3A_122 = vector.load %arg7[%get3A_120, %get3A_121] : memref<1x1280xf32, #tpu.memory_space<vmem>>, vector<1x1280xf32>
      %get3A_123 = arith.constant 0 : index
      %get3A_124 = arith.constant 0 : index
      %get3A_125 = vector.load %arg8[%get3A_123, %get3A_124] : memref<128x128xf32, #tpu.memory_space<vmem>>, vector<128x128xf32>
      %dot_general3A_126 = arith.constant dense<0.000000e+00> : vector<1x1280xf32>
      %dot_general3A_127 = tpu.matmul %get3A_110, %get3A_113, %dot_general3A_126 {dimension_numbers = #tpu.dot_dimension_numbers<[1], [0], [0], [1], [0, 0, 1, 1], [], []>, transpose_lhs_hint = false} : vector<1x128xf32>, vector<128x1280xf32>, vector<1x1280xf32> -> vector<1x1280xf32>
      %add3A_128 = arith.addf %dot_general3A_127, %get3A_116 : vector<1x1280xf32>
      %reshape3A = vector.shape_cast %add3A_128 : vector<1x1280xf32> to vector<10x128xf32>
      %dot_general3A_129 = arith.constant dense<0.000000e+00> : vector<1x1280xf32>
      %dot_general3A_130 = tpu.matmul %get3A_110, %get3A_119, %dot_general3A_129 {dimension_numbers = #tpu.dot_dimension_numbers<[1], [0], [0], [1], [0, 0, 1, 1], [], []>, transpose_lhs_hint = false} : vector<1x128xf32>, vector<128x1280xf32>, vector<1x1280xf32> -> vector<1x1280xf32>
      %add3A_131 = arith.addf %dot_general3A_130, %get3A_122 : vector<1x1280xf32>
      %reshape3A_132 = vector.shape_cast %add3A_131 : vector<1x1280xf32> to vector<10x128xf32>
      %dot_general3A_133 = arith.constant dense<0.000000e+00> : vector<128x128xf32>
      %dot_general3A_134 = tpu.matmul %reshape3A, %reshape3A_132, %dot_general3A_133 {dimension_numbers = #tpu.dot_dimension_numbers<[0], [0], [1], [1], [0, 1, 1, 1], [], []>, transpose_lhs_hint = false} : vector<10x128xf32>, vector<10x128xf32>, vector<128x128xf32> -> vector<128x128xf32>
      %mul3A_135 = arith.constant 0.316227764 : f32
      %mul3A_136 = vector.broadcast %mul3A_135 : f32 to vector<128x128xf32>
      %mul3A_137 = arith.mulf %dot_general3A_134, %mul3A_136 : vector<128x128xf32>
      %add3A_138 = arith.constant 1.000000e+00 : f32
      %add3A_139 = vector.broadcast %add3A_138 : f32 to vector<128x128xf32>
      %add3A_140 = arith.addf %mul3A_137, %add3A_139 : vector<128x128xf32>
      %mul3A_141 = arith.mulf %get3A_125, %add3A_140 : vector<128x128xf32>
      %mul3A_142 = arith.mulf %mul3A_141, %mul3A_141 : vector<128x128xf32>
      %reduce_sum3A = arith.constant dense<0.000000e+00> : vector<128xf32>
      %reduce_sum3A_143 = vector.multi_reduction <add>, %mul3A_142, %reduce_sum3A [1] : vector<128x128xf32> to vector<128xf32>
      %broadcast_in_dim3A = vector.shape_cast %reduce_sum3A_143 : vector<128xf32> to vector<128x1xf32>
      %sqrt3A = math.sqrt %broadcast_in_dim3A : vector<128x1xf32>
      %add3A_144 = arith.constant 9.99999993E-9 : f32
      %add3A_145 = vector.broadcast %add3A_144 : f32 to vector<128x1xf32>
      %add3A_146 = arith.addf %sqrt3A, %add3A_145 : vector<128x1xf32>
      %div3A = vector.broadcast %add3A_146 : vector<128x1xf32> to vector<128x128xf32>
      %div3A_147 = arith.divf %mul3A_141, %div3A : vector<128x128xf32>
      %swap3A_148 = arith.constant 0 : index
      %swap3A_149 = arith.constant 0 : index
      %swap3A_150 = vector.load %arg30[%swap3A_148, %swap3A_149] : memref<128x128xf32, #tpu.memory_space<vmem>>, vector<128x128xf32>
      tpu.vector_store %arg30[%swap3A_148, %swap3A_149], %div3A_147 {strides = array<i32>} : memref<128x128xf32, #tpu.memory_space<vmem>>, vector<128x128xf32>,
      %get3A_151 = arith.constant 0 : index
      %get3A_152 = arith.constant 0 : index
      %get3A_153 = vector.load %arg16[%get3A_151, %get3A_152] : memref<128x1280xf32, #tpu.memory_space<vmem>>, vector<128x1280xf32>
      %get3A_154 = arith.constant 0 : index
      %get3A_155 = arith.constant 0 : index
      %get3A_156 = vector.load %arg17[%get3A_154, %get3A_155] : memref<1x1280xf32, #tpu.memory_space<vmem>>, vector<1x1280xf32>
      %get3A_157 = arith.constant 0 : index
      %get3A_158 = arith.constant 0 : index
      %get3A_159 = vector.load %arg18[%get3A_157, %get3A_158] : memref<128x1280xf32, #tpu.memory_space<vmem>>, vector<128x1280xf32>
      %get3A_160 = arith.constant 0 : index
      %get3A_161 = arith.constant 0 : index
      %get3A_162 = vector.load %arg19[%get3A_160, %get3A_161] : memref<1x1280xf32, #tpu.memory_space<vmem>>, vector<1x1280xf32>
      %get3A_163 = arith.constant 0 : index
      %get3A_164 = arith.constant 0 : index
      %get3A_165 = vector.load %arg20[%get3A_163, %get3A_164] : memref<128x128xf32, #tpu.memory_space<vmem>>, vector<128x128xf32>
      %dot_general3A_166 = arith.constant dense<0.000000e+00> : vector<1x1280xf32>
      %dot_general3A_167 = tpu.matmul %get3A_110, %get3A_153, %dot_general3A_166 {dimension_numbers = #tpu.dot_dimension_numbers<[1], [0], [0], [1], [0, 0, 1, 1], [], []>, transpose_lhs_hint = false} : vector<1x128xf32>, vector<128x1280xf32>, vector<1x1280xf32> -> vector<1x1280xf32>
      %add3A_168 = arith.addf %dot_general3A_167, %get3A_156 : vector<1x1280xf32>
      %reshape3A_169 = vector.shape_cast %add3A_168 : vector<1x1280xf32> to vector<10x128xf32>
      %dot_general3A_170 = arith.constant dense<0.000000e+00> : vector<1x1280xf32>
      %dot_general3A_171 = tpu.matmul %get3A_110, %get3A_159, %dot_general3A_170 {dimension_numbers = #tpu.dot_dimension_numbers<[1], [0], [0], [1], [0, 0, 1, 1], [], []>, transpose_lhs_hint = false} : vector<1x128xf32>, vector<128x1280xf32>, vector<1x1280xf32> -> vector<1x1280xf32>
      %add3A_172 = arith.addf %dot_general3A_171, %get3A_162 : vector<1x1280xf32>
      %reshape3A_173 = vector.shape_cast %add3A_172 : vector<1x1280xf32> to vector<10x128xf32>
      %dot_general3A_174 = arith.constant dense<0.000000e+00> : vector<128x128xf32>
      %dot_general3A_175 = tpu.matmul %reshape3A_169, %reshape3A_173, %dot_general3A_174 {dimension_numbers = #tpu.dot_dimension_numbers<[0], [0], [1], [1], [0, 1, 1, 1], [], []>, transpose_lhs_hint = false} : vector<10x128xf32>, vector<10x128xf32>, vector<128x128xf32> -> vector<128x128xf32>
      %mul3A_176 = arith.constant 0.316227764 : f32
      %mul3A_177 = vector.broadcast %mul3A_176 : f32 to vector<128x128xf32>
      %mul3A_178 = arith.mulf %dot_general3A_175, %mul3A_177 : vector<128x128xf32>
      %add3A_179 = arith.constant 1.000000e+00 : f32
      %add3A_180 = vector.broadcast %add3A_179 : f32 to vector<128x128xf32>
      %add3A_181 = arith.addf %mul3A_178, %add3A_180 : vector<128x128xf32>
      %mul3A_182 = arith.mulf %get3A_165, %add3A_181 : vector<128x128xf32>
      %mul3A_183 = arith.mulf %mul3A_182, %mul3A_182 : vector<128x128xf32>
      %reduce_sum3A_184 = arith.constant dense<0.000000e+00> : vector<128xf32>
      %reduce_sum3A_185 = vector.multi_reduction <add>, %mul3A_183, %reduce_sum3A_184 [1] : vector<128x128xf32> to vector<128xf32>
      %broadcast_in_dim3A_186 = vector.shape_cast %reduce_sum3A_185 : vector<128xf32> to vector<128x1xf32>
      %sqrt3A_187 = math.sqrt %broadcast_in_dim3A_186 : vector<128x1xf32>
      %add3A_188 = arith.constant 9.99999993E-9 : f32
      %add3A_189 = vector.broadcast %add3A_188 : f32 to vector<128x1xf32>
      %add3A_190 = arith.addf %sqrt3A_187, %add3A_189 : vector<128x1xf32>
      %div3A_191 = vector.broadcast %add3A_190 : vector<128x1xf32> to vector<128x128xf32>
      %div3A_192 = arith.divf %mul3A_182, %div3A_191 : vector<128x128xf32>
      %swap3A_193 = arith.constant 0 : index
      %swap3A_194 = arith.constant 0 : index
      %swap3A_195 = vector.load %arg31[%swap3A_193, %swap3A_194] : memref<128x128xf32, #tpu.memory_space<vmem>>, vector<128x128xf32>
      tpu.vector_store %arg31[%swap3A_193, %swap3A_194], %div3A_192 {strides = array<i32>} : memref<128x128xf32, #tpu.memory_space<vmem>>, vector<128x128xf32>,
      %get3A_196 = arith.constant 0 : index
      %get3A_197 = arith.constant 0 : index
      %get3A_198 = vector.load %arg22[%get3A_196, %get3A_197] : memref<128x1280xf32, #tpu.memory_space<vmem>>, vector<128x1280xf32>
      %get3A_199 = arith.constant 0 : index
      %get3A_200 = arith.constant 0 : index
      %get3A_201 = vector.load %arg23[%get3A_199, %get3A_200] : memref<1x1280xf32, #tpu.memory_space<vmem>>, vector<1x1280xf32>
      %get3A_202 = arith.constant 0 : index
      %get3A_203 = arith.constant 0 : index
      %get3A_204 = vector.load %arg24[%get3A_202, %get3A_203] : memref<128x1280xf32, #tpu.memory_space<vmem>>, vector<128x1280xf32>
      %get3A_205 = arith.constant 0 : index
      %get3A_206 = arith.constant 0 : index
      %get3A_207 = vector.load %arg25[%get3A_205, %get3A_206] : memref<1x1280xf32, #tpu.memory_space<vmem>>, vector<1x1280xf32>
      %get3A_208 = arith.constant 0 : index
      %get3A_209 = arith.constant 0 : index
      %get3A_210 = vector.load %arg26[%get3A_208, %get3A_209] : memref<128x128xf32, #tpu.memory_space<vmem>>, vector<128x128xf32>
      %dot_general3A_211 = arith.constant dense<0.000000e+00> : vector<1x1280xf32>
      %dot_general3A_212 = tpu.matmul %get3A_110, %get3A_198, %dot_general3A_211 {dimension_numbers = #tpu.dot_dimension_numbers<[1], [0], [0], [1], [0, 0, 1, 1], [], []>, transpose_lhs_hint = false} : vector<1x128xf32>, vector<128x1280xf32>, vector<1x1280xf32> -> vector<1x1280xf32>
      %add3A_213 = arith.addf %dot_general3A_212, %get3A_201 : vector<1x1280xf32>
      %reshape3A_214 = vector.shape_cast %add3A_213 : vector<1x1280xf32> to vector<10x128xf32>
      %dot_general3A_215 = arith.constant dense<0.000000e+00> : vector<1x1280xf32>
      %dot_general3A_216 = tpu.matmul %get3A_110, %get3A_204, %dot_general3A_215 {dimension_numbers = #tpu.dot_dimension_numbers<[1], [0], [0], [1], [0, 0, 1, 1], [], []>, transpose_lhs_hint = false} : vector<1x128xf32>, vector<128x1280xf32>, vector<1x1280xf32> -> vector<1x1280xf32>
      %add3A_217 = arith.addf %dot_general3A_216, %get3A_207 : vector<1x1280xf32>
      %reshape3A_218 = vector.shape_cast %add3A_217 : vector<1x1280xf32> to vector<10x128xf32>
      %dot_general3A_219 = arith.constant dense<0.000000e+00> : vector<128x128xf32>
      %dot_general3A_220 = tpu.matmul %reshape3A_214, %reshape3A_218, %dot_general3A_219 {dimension_numbers = #tpu.dot_dimension_numbers<[0], [0], [1], [1], [0, 1, 1, 1], [], []>, transpose_lhs_hint = false} : vector<10x128xf32>, vector<10x128xf32>, vector<128x128xf32> -> vector<128x128xf32>
      %mul3A_221 = arith.constant 0.316227764 : f32
      %mul3A_222 = vector.broadcast %mul3A_221 : f32 to vector<128x128xf32>
      %mul3A_223 = arith.mulf %dot_general3A_220, %mul3A_222 : vector<128x128xf32>
      %add3A_224 = arith.constant 1.000000e+00 : f32
      %add3A_225 = vector.broadcast %add3A_224 : f32 to vector<128x128xf32>
      %add3A_226 = arith.addf %mul3A_223, %add3A_225 : vector<128x128xf32>
      %mul3A_227 = arith.mulf %get3A_210, %add3A_226 : vector<128x128xf32>
      %mul3A_228 = arith.mulf %mul3A_227, %mul3A_227 : vector<128x128xf32>
      %reduce_sum3A_229 = arith.constant dense<0.000000e+00> : vector<128xf32>
      %reduce_sum3A_230 = vector.multi_reduction <add>, %mul3A_228, %reduce_sum3A_229 [1] : vector<128x128xf32> to vector<128xf32>
      %broadcast_in_dim3A_231 = vector.shape_cast %reduce_sum3A_230 : vector<128xf32> to vector<128x1xf32>
      %sqrt3A_232 = math.sqrt %broadcast_in_dim3A_231 : vector<128x1xf32>
      %add3A_233 = arith.constant 9.99999993E-9 : f32
      %add3A_234 = vector.broadcast %add3A_233 : f32 to vector<128x1xf32>
      %add3A_235 = arith.addf %sqrt3A_232, %add3A_234 : vector<128x1xf32>
      %div3A_236 = vector.broadcast %add3A_235 : vector<128x1xf32> to vector<128x128xf32>
      %div3A_237 = arith.divf %mul3A_227, %div3A_236 : vector<128x128xf32>
      %swap3A_238 = arith.constant 0 : index
      %swap3A_239 = arith.constant 0 : index
      %swap3A_240 = vector.load %arg32[%swap3A_238, %swap3A_239] : memref<128x128xf32, #tpu.memory_space<vmem>>, vector<128x128xf32>
      tpu.vector_store %arg32[%swap3A_238, %swap3A_239], %div3A_237 {strides = array<i32>} : memref<128x128xf32, #tpu.memory_space<vmem>>, vector<128x128xf32>,
    } else {
    }
    %get3A = arith.constant 0 : index
    %get3A_2 = arith.constant 0 : index
    %get3A_3 = arith.constant 0 : index
    %get3A_4 = vector.load %arg1[%get3A, %get3A_2, %get3A_3] : memref<2x2000x128xf32, #tpu.memory_space<vmem>>, vector<1x2000x128xf32>
    %get3A_5 = vector.shape_cast %get3A_4 : vector<1x2000x128xf32> to vector<2000x128xf32>
    %get3A_6 = arith.constant 1 : index
    %get3A_7 = arith.constant 0 : index
    %get3A_8 = arith.constant 0 : index
    %get3A_9 = vector.load %arg1[%get3A_6, %get3A_7, %get3A_8] : memref<2x2000x128xf32, #tpu.memory_space<vmem>>, vector<1x2000x128xf32>
    %get3A_10 = vector.shape_cast %get3A_9 : vector<1x2000x128xf32> to vector<2000x128xf32>
    %add3A = arith.addf %get3A_5, %get3A_10 : vector<2000x128xf32>
    %get3A_11 = arith.constant 0 : index
    %get3A_12 = arith.constant 0 : index
    %get3A_13 = vector.load %arg28[%get3A_11, %get3A_12] : memref<1x128xf32, #tpu.memory_space<vmem>>, vector<1x128xf32>
    %add3A_14 = vector.broadcast %get3A_13 : vector<1x128xf32> to vector<2000x128xf32>
    %add3A_15 = arith.addf %add3A, %add3A_14 : vector<2000x128xf32>
    %get3A_16 = arith.constant 0 : index
    %get3A_17 = arith.constant 0 : index
    %get3A_18 = vector.load %arg30[%get3A_16, %get3A_17] : memref<128x128xf32, #tpu.memory_space<vmem>>, vector<128x128xf32>
    %dot_general3A = arith.constant dense<0.000000e+00> : vector<2000x128xf32>
    %dot_general3A_19 = tpu.matmul %add3A_15, %get3A_18, %dot_general3A {dimension_numbers = #tpu.dot_dimension_numbers<[1], [1], [0], [0], [0, 0, 1, 0], [], []>, transpose_lhs_hint = false} : vector<2000x128xf32>, vector<128x128xf32>, vector<2000x128xf32> -> vector<2000x128xf32>
    %get3A_20 = arith.constant 0 : index
    %get3A_21 = arith.constant 0 : index
    %get3A_22 = vector.load %arg9[%get3A_20, %get3A_21] : memref<1x128xf32, #tpu.memory_space<vmem>>, vector<1x128xf32>
    %add3A_23 = vector.broadcast %get3A_22 : vector<1x128xf32> to vector<2000x128xf32>
    %add3A_24 = arith.addf %dot_general3A_19, %add3A_23 : vector<2000x128xf32>
    %ge3A = arith.constant 0.000000e+00 : f32
    %ge3A_25 = vector.broadcast %ge3A : f32 to vector<2000x128xf32>
    %ge3A_26 = arith.cmpf oge, %add3A_24, %ge3A_25 : vector<2000x128xf32>
    %mul3A = arith.constant 0.00999999977 : f32
    %mul3A_27 = vector.broadcast %mul3A : f32 to vector<2000x128xf32>
    %mul3A_28 = arith.mulf %mul3A_27, %add3A_24 : vector<2000x128xf32>
    %select_n3A = arith.select %ge3A_26, %add3A_24, %mul3A_28 : vector<2000x128xi1>, vector<2000x128xf32>
    %get3A_29 = arith.constant 0 : index
    %get3A_30 = arith.constant 0 : index
    %get3A_31 = vector.load %arg10[%get3A_29, %get3A_30] : memref<128x128xf32, #tpu.memory_space<vmem>>, vector<128x128xf32>
    %dot_general3A_32 = arith.constant dense<0.000000e+00> : vector<2000x128xf32>
    %dot_general3A_33 = tpu.matmul %select_n3A, %get3A_31, %dot_general3A_32 {dimension_numbers = #tpu.dot_dimension_numbers<[1], [0], [0], [1], [0, 0, 1, 1], [], []>, transpose_lhs_hint = false} : vector<2000x128xf32>, vector<128x128xf32>, vector<2000x128xf32> -> vector<2000x128xf32>
    %add3A_34 = arith.addf %select_n3A, %dot_general3A_33 : vector<2000x128xf32>
    %get3A_35 = arith.constant 0 : index
    %get3A_36 = arith.constant 0 : index
    %get3A_37 = vector.load %arg11[%get3A_35, %get3A_36] : memref<1x128xf32, #tpu.memory_space<vmem>>, vector<1x128xf32>
    %add3A_38 = vector.broadcast %get3A_37 : vector<1x128xf32> to vector<2000x128xf32>
    %add3A_39 = arith.addf %add3A_34, %add3A_38 : vector<2000x128xf32>
    %get3A_40 = arith.constant 0 : index
    %get3A_41 = arith.constant 0 : index
    %get3A_42 = vector.load %arg2[%get3A_40, %get3A_41] : memref<2000x128xf32, #tpu.memory_space<vmem>>, vector<2000x128xf32>
    %get3A_43 = arith.constant 0 : index
    %get3A_44 = arith.constant 0 : index
    %get3A_45 = vector.load %arg12[%get3A_43, %get3A_44] : memref<128x128xf32, #tpu.memory_space<vmem>>, vector<128x128xf32>
    %dot_general3A_46 = arith.constant dense<0.000000e+00> : vector<2000x128xf32>
    %dot_general3A_47 = tpu.matmul %get3A_42, %get3A_45, %dot_general3A_46 {dimension_numbers = #tpu.dot_dimension_numbers<[1], [0], [0], [1], [0, 0, 1, 1], [], []>, transpose_lhs_hint = false} : vector<2000x128xf32>, vector<128x128xf32>, vector<2000x128xf32> -> vector<2000x128xf32>
    %get3A_48 = arith.constant 0 : index
    %get3A_49 = arith.constant 0 : index
    %get3A_50 = vector.load %arg13[%get3A_48, %get3A_49] : memref<1x128xf32, #tpu.memory_space<vmem>>, vector<1x128xf32>
    %add3A_51 = vector.broadcast %get3A_50 : vector<1x128xf32> to vector<2000x128xf32>
    %add3A_52 = arith.addf %dot_general3A_47, %add3A_51 : vector<2000x128xf32>
    %add3A_53 = arith.addf %add3A_39, %add3A_52 : vector<2000x128xf32>
    %get3A_54 = arith.constant 0 : index
    %get3A_55 = arith.constant 0 : index
    %get3A_56 = vector.load %arg14[%get3A_54, %get3A_55] : memref<128x128xf32, #tpu.memory_space<vmem>>, vector<128x128xf32>
    %dot_general3A_57 = arith.constant dense<0.000000e+00> : vector<2000x128xf32>
    %dot_general3A_58 = tpu.matmul %add3A_52, %get3A_56, %dot_general3A_57 {dimension_numbers = #tpu.dot_dimension_numbers<[1], [0], [0], [1], [0, 0, 1, 1], [], []>, transpose_lhs_hint = false} : vector<2000x128xf32>, vector<128x128xf32>, vector<2000x128xf32> -> vector<2000x128xf32>
    %add3A_59 = arith.addf %add3A_53, %dot_general3A_58 : vector<2000x128xf32>
    %get3A_60 = arith.constant 0 : index
    %get3A_61 = arith.constant 0 : index
    %get3A_62 = vector.load %arg15[%get3A_60, %get3A_61] : memref<1x128xf32, #tpu.memory_space<vmem>>, vector<1x128xf32>
    %add3A_63 = vector.broadcast %get3A_62 : vector<1x128xf32> to vector<2000x128xf32>
    %add3A_64 = arith.addf %add3A_59, %add3A_63 : vector<2000x128xf32>
    %ge3A_65 = arith.constant 0.000000e+00 : f32
    %ge3A_66 = vector.broadcast %ge3A_65 : f32 to vector<2000x128xf32>
    %ge3A_67 = arith.cmpf oge, %add3A_64, %ge3A_66 : vector<2000x128xf32>
    %mul3A_68 = arith.constant 0.00999999977 : f32
    %mul3A_69 = vector.broadcast %mul3A_68 : f32 to vector<2000x128xf32>
    %mul3A_70 = arith.mulf %mul3A_69, %add3A_64 : vector<2000x128xf32>
    %select_n3A_71 = arith.select %ge3A_67, %add3A_64, %mul3A_70 : vector<2000x128xi1>, vector<2000x128xf32>
    %get3A_72 = arith.constant 0 : index
    %get3A_73 = arith.constant 0 : index
    %get3A_74 = vector.load %arg31[%get3A_72, %get3A_73] : memref<128x128xf32, #tpu.memory_space<vmem>>, vector<128x128xf32>
    %dot_general3A_75 = arith.constant dense<0.000000e+00> : vector<2000x128xf32>
    %dot_general3A_76 = tpu.matmul %select_n3A_71, %get3A_74, %dot_general3A_75 {dimension_numbers = #tpu.dot_dimension_numbers<[1], [1], [0], [0], [0, 0, 1, 0], [], []>, transpose_lhs_hint = false} : vector<2000x128xf32>, vector<128x128xf32>, vector<2000x128xf32> -> vector<2000x128xf32>
    %get3A_77 = arith.constant 0 : index
    %get3A_78 = arith.constant 0 : index
    %get3A_79 = vector.load %arg21[%get3A_77, %get3A_78] : memref<1x128xf32, #tpu.memory_space<vmem>>, vector<1x128xf32>
    %add3A_80 = vector.broadcast %get3A_79 : vector<1x128xf32> to vector<2000x128xf32>
    %add3A_81 = arith.addf %dot_general3A_76, %add3A_80 : vector<2000x128xf32>
    %ge3A_82 = arith.constant 0.000000e+00 : f32
    %ge3A_83 = vector.broadcast %ge3A_82 : f32 to vector<2000x128xf32>
    %ge3A_84 = arith.cmpf oge, %add3A_81, %ge3A_83 : vector<2000x128xf32>
    %mul3A_85 = arith.constant 0.00999999977 : f32
    %mul3A_86 = vector.broadcast %mul3A_85 : f32 to vector<2000x128xf32>
    %mul3A_87 = arith.mulf %mul3A_86, %add3A_81 : vector<2000x128xf32>
    %select_n3A_88 = arith.select %ge3A_84, %add3A_81, %mul3A_87 : vector<2000x128xi1>, vector<2000x128xf32>
    %get3A_89 = arith.constant 0 : index
    %get3A_90 = arith.constant 0 : index
    %get3A_91 = vector.load %arg32[%get3A_89, %get3A_90] : memref<128x128xf32, #tpu.memory_space<vmem>>, vector<128x128xf32>
    %dot_general3A_92 = arith.constant dense<0.000000e+00> : vector<2000x128xf32>
    %dot_general3A_93 = tpu.matmul %select_n3A_88, %get3A_91, %dot_general3A_92 {dimension_numbers = #tpu.dot_dimension_numbers<[1], [1], [0], [0], [0, 0, 1, 0], [], []>, transpose_lhs_hint = false} : vector<2000x128xf32>, vector<128x128xf32>, vector<2000x128xf32> -> vector<2000x128xf32>
    %get3A_94 = arith.constant 0 : index
    %get3A_95 = arith.constant 0 : index
    %get3A_96 = vector.load %arg27[%get3A_94, %get3A_95] : memref<1x128xf32, #tpu.memory_space<vmem>>, vector<1x128xf32>
    %add3A_97 = vector.broadcast %get3A_96 : vector<1x128xf32> to vector<2000x128xf32>
    %add3A_98 = arith.addf %dot_general3A_93, %add3A_97 : vector<2000x128xf32>
    %ge3A_99 = arith.constant 0.000000e+00 : f32
    %ge3A_100 = vector.broadcast %ge3A_99 : f32 to vector<2000x128xf32>
    %ge3A_101 = arith.cmpf oge, %add3A_98, %ge3A_100 : vector<2000x128xf32>
    %mul3A_102 = arith.constant 0.00999999977 : f32
    %mul3A_103 = vector.broadcast %mul3A_102 : f32 to vector<2000x128xf32>
    %mul3A_104 = arith.mulf %mul3A_103, %add3A_98 : vector<2000x128xf32>
    %select_n3A_105 = arith.select %ge3A_101, %add3A_98, %mul3A_104 : vector<2000x128xi1>, vector<2000x128xf32>
    %swap3A = arith.constant 0 : index
    %swap3A_106 = arith.constant 0 : index
    %swap3A_107 = vector.load %arg29[%swap3A, %swap3A_106] : memref<2000x128xf32, #tpu.memory_space<vmem>>, vector<2000x128xf32>
    tpu.vector_store %arg29[%swap3A, %swap3A_106], %select_n3A_105 {strides = array<i32>} : memref<2000x128xf32, #tpu.memory_space<vmem>>, vector<2000x128xf32>,
    return
  }
  func.func @transform_0(%arg0: i32) -> (i32, i32, i32) {
    %c0_i32 = arith.constant 0 : i32
    %c0_i32_0 = arith.constant 0 : i32
    %c0_i32_1 = arith.constant 0 : i32
    return %c0_i32, %arg0, %c0_i32_0 : i32, i32, i32
  }
  func.func @transform_1(%arg0: i32) -> (i32, i32) {
    %c0_i32 = arith.constant 0 : i32
    %c0_i32_0 = arith.constant 0 : i32
    return %arg0, %c0_i32 : i32, i32
  }
  func.func @transform_2(%arg0: i32) -> (i32, i32) {
    %c0_i32 = arith.constant 0 : i32
    %c0_i32_0 = arith.constant 0 : i32
    %c0_i32_1 = arith.constant 0 : i32
    return %c0_i32, %c0_i32_0 : i32, i32
  }
  func.func @transform_3(%arg0: i32) -> (i32, i32) {
    %c0_i32 = arith.constant 0 : i32
    %c0_i32_0 = arith.constant 0 : i32
    %c0_i32_1 = arith.constant 0 : i32
    return %c0_i32, %c0_i32_0 : i32, i32
  }
  func.func @transform_4(%arg0: i32) -> (i32, i32) {
    %c0_i32 = arith.constant 0 : i32
    %c0_i32_0 = arith.constant 0 : i32
    %c0_i32_1 = arith.constant 0 : i32
    return %c0_i32, %c0_i32_0 : i32, i32
  }
  func.func @transform_5(%arg0: i32) -> (i32, i32) {
    %c0_i32 = arith.constant 0 : i32
    %c0_i32_0 = arith.constant 0 : i32
    %c0_i32_1 = arith.constant 0 : i32
    return %c0_i32, %c0_i32_0 : i32, i32
  }
  func.func @transform_6(%arg0: i32) -> (i32, i32) {
    %c0_i32 = arith.constant 0 : i32
    %c0_i32_0 = arith.constant 0 : i32
    %c0_i32_1 = arith.constant 0 : i32
    return %c0_i32, %c0_i32_0 : i32, i32
  }
  func.func @transform_7(%arg0: i32) -> (i32, i32) {
    %c0_i32 = arith.constant 0 : i32
    %c0_i32_0 = arith.constant 0 : i32
    %c0_i32_1 = arith.constant 0 : i32
    return %c0_i32, %c0_i32_0 : i32, i32
  }
  func.func @transform_8(%arg0: i32) -> (i32, i32) {
    %c0_i32 = arith.constant 0 : i32
    %c0_i32_0 = arith.constant 0 : i32
    %c0_i32_1 = arith.constant 0 : i32
    return %c0_i32, %c0_i32_0 : i32, i32
  }
  func.func @transform_9(%arg0: i32) -> (i32, i32) {
    %c0_i32 = arith.constant 0 : i32
    %c0_i32_0 = arith.constant 0 : i32
    %c0_i32_1 = arith.constant 0 : i32
    return %c0_i32, %c0_i32_0 : i32, i32
  }
  func.func @transform_10(%arg0: i32) -> (i32, i32) {
    %c0_i32 = arith.constant 0 : i32
    %c0_i32_0 = arith.constant 0 : i32
    %c0_i32_1 = arith.constant 0 : i32
    return %c0_i32, %c0_i32_0 : i32, i32
  }
  func.func @transform_11(%arg0: i32) -> (i32, i32) {
    %c0_i32 = arith.constant 0 : i32
    %c0_i32_0 = arith.constant 0 : i32
    %c0_i32_1 = arith.constant 0 : i32
    return %c0_i32, %c0_i32_0 : i32, i32
  }
  func.func @transform_12(%arg0: i32) -> (i32, i32) {
    %c0_i32 = arith.constant 0 : i32
    %c0_i32_0 = arith.constant 0 : i32
    %c0_i32_1 = arith.constant 0 : i32
    return %c0_i32, %c0_i32_0 : i32, i32
  }
  func.func @transform_13(%arg0: i32) -> (i32, i32) {
    %c0_i32 = arith.constant 0 : i32
    %c0_i32_0 = arith.constant 0 : i32
    %c0_i32_1 = arith.constant 0 : i32
    return %c0_i32, %c0_i32_0 : i32, i32
  }
  func.func @transform_14(%arg0: i32) -> (i32, i32) {
    %c0_i32 = arith.constant 0 : i32
    %c0_i32_0 = arith.constant 0 : i32
    %c0_i32_1 = arith.constant 0 : i32
    return %c0_i32, %c0_i32_0 : i32, i32
  }
  func.func @transform_15(%arg0: i32) -> (i32, i32) {
    %c0_i32 = arith.constant 0 : i32
    %c0_i32_0 = arith.constant 0 : i32
    %c0_i32_1 = arith.constant 0 : i32
    return %c0_i32, %c0_i32_0 : i32, i32
  }
  func.func @transform_16(%arg0: i32) -> (i32, i32) {
    %c0_i32 = arith.constant 0 : i32
    %c0_i32_0 = arith.constant 0 : i32
    %c0_i32_1 = arith.constant 0 : i32
    return %c0_i32, %c0_i32_0 : i32, i32
  }
  func.func @transform_17(%arg0: i32) -> (i32, i32) {
    %c0_i32 = arith.constant 0 : i32
    %c0_i32_0 = arith.constant 0 : i32
    %c0_i32_1 = arith.constant 0 : i32
    return %c0_i32, %c0_i32_0 : i32, i32
  }
  func.func @transform_18(%arg0: i32) -> (i32, i32) {
    %c0_i32 = arith.constant 0 : i32
    %c0_i32_0 = arith.constant 0 : i32
    %c0_i32_1 = arith.constant 0 : i32
    return %c0_i32, %c0_i32_0 : i32, i32
  }
  func.func @transform_19(%arg0: i32) -> (i32, i32) {
    %c0_i32 = arith.constant 0 : i32
    %c0_i32_0 = arith.constant 0 : i32
    %c0_i32_1 = arith.constant 0 : i32
    return %c0_i32, %c0_i32_0 : i32, i32
  }
  func.func @transform_20(%arg0: i32) -> (i32, i32) {
    %c0_i32 = arith.constant 0 : i32
    %c0_i32_0 = arith.constant 0 : i32
    %c0_i32_1 = arith.constant 0 : i32
    return %c0_i32, %c0_i32_0 : i32, i32
  }
  func.func @transform_21(%arg0: i32) -> (i32, i32) {
    %c0_i32 = arith.constant 0 : i32
    %c0_i32_0 = arith.constant 0 : i32
    %c0_i32_1 = arith.constant 0 : i32
    return %c0_i32, %c0_i32_0 : i32, i32
  }
  func.func @transform_22(%arg0: i32) -> (i32, i32) {
    %c0_i32 = arith.constant 0 : i32
    %c0_i32_0 = arith.constant 0 : i32
    %c0_i32_1 = arith.constant 0 : i32
    return %c0_i32, %c0_i32_0 : i32, i32
  }
  func.func @transform_23(%arg0: i32) -> (i32, i32) {
    %c0_i32 = arith.constant 0 : i32
    %c0_i32_0 = arith.constant 0 : i32
    %c0_i32_1 = arith.constant 0 : i32
    return %c0_i32, %c0_i32_0 : i32, i32
  }
  func.func @transform_24(%arg0: i32) -> (i32, i32) {
    %c0_i32 = arith.constant 0 : i32
    %c0_i32_0 = arith.constant 0 : i32
    %c0_i32_1 = arith.constant 0 : i32
    return %c0_i32, %c0_i32_0 : i32, i32
  }
  func.func @transform_25(%arg0: i32) -> (i32, i32) {
    %c0_i32 = arith.constant 0 : i32
    %c0_i32_0 = arith.constant 0 : i32
    %c0_i32_1 = arith.constant 0 : i32
    return %c0_i32, %c0_i32_0 : i32, i32
  }
  func.func @transform_26(%arg0: i32) -> (i32, i32) {
    %c0_i32 = arith.constant 0 : i32
    %c0_i32_0 = arith.constant 0 : i32
    %c0_i32_1 = arith.constant 0 : i32
    return %c0_i32, %c0_i32_0 : i32, i32
  }
  func.func @transform_27(%arg0: i32) -> (i32, i32) {
    %c0_i32 = arith.constant 0 : i32
    %c0_i32_0 = arith.constant 0 : i32
    %c0_i32_1 = arith.constant 0 : i32
    return %c0_i32, %c0_i32_0 : i32, i32
  }
  func.func @transform_28(%arg0: i32) -> (i32, i32) {
    %c0_i32 = arith.constant 0 : i32
    %c0_i32_0 = arith.constant 0 : i32
    return %arg0, %c0_i32 : i32, i32
  }
}

</mosaic_0001>

<sc_bundles>
// kernel: kernel.4.cloned.1.call-start
scs
__scs_entry_jumppad:
0x0: {  	(pc) =	sbr.rel $0x88, $3  }
0x1: {  	(tag) =	ssettag $0x0;
	lr =	simm.s32 $0x1  }
0x2: {  	[smem:$0x3F8A] =	sst lr;
	_ =	strace $0xD0000000  }
0x3: {  	_ = 	snop  }
0x4: {  	_ = 	snop  }
0x5: {  	_ = 	snop  }
0x6: {  	_ = 	snop  }
0x7: {  	_ = 	snop  }
__scs_overlays_trampoline_lowered:
0x8: {  	[smem:$0x3F99] =	sst s0  }
0x9: {  	[smem:$0x3F9A] =	sst s1  }
0xa: {  	[smem:$0x3F9B] =	sst s2  }
0xb: {  	[smem:$0x3F9C] =	sst s3  }
0xc: {  	[smem:$0x3F9D] =	sst s4  }
0xd: {  	[smem:$0x3F9E] =	sst s5  }
0xe: {  	[smem:$0x3F9F] =	sst s6  }
0xf: {  	[smem:$0x3FA0] =	sst s7  }
0x10: {  	[smem:$0x3FA1] =	sst s8  }
0x11: {  	[smem:$0x3FA2] =	sst s9;
	s0 =	simm.s32 @!p0 $0x0  }
0x12: {  	s1 =	sld [smem:$0x3F88];
	s0 =	simm.s32 @p0 $0x1  }
0x13: {  	[smem:$0x3FA3] =	sst s0;
	s0 =	simm.s32 @!p1 $0x0  }
0x14: {  	s2 =	sld [smem:$0x3F87];
	s0 =	simm.s32 @p1 $0x1  }
0x15: {  	[smem:$0x3FA4] =	sst s0;
	s0 =	simm.s32 @!p2 $0x0  }
0x16: {  	s3 =	sld [smem:$0x3FDB];
	s0 =	simm.s32 @p2 $0x1  }
0x17: {  	s4 =	simm.s32 $0x1BF5;
	[smem:$0x3FA6] =	sst s0  }
0x18: {  	s0 =	sld [smem:$0x3F89];
	_ =	swait.ge [sflag:s4], $0x0  }
0x19: {  	s7 =	sld [smem:$0x3F8A]  }
0x1a: {  	s8 =	sadd.s32 $0xFFFFE003, lr  }
0x1b: {  	s9 =	sadd.s32 $0xFFFFFEF7, lr;
	s5 =	simm.s32 $0xFFFFFFFF;
	p2 =	slt.u32 s8, $0xFFFFF086  }
0x1c: {  	p1 =	slt.u32 s9, $0xF7A;
	s5 =	simm.s32 @!p2 $0x0  }
0x1d: {  	s5 =	simm.s32 @p1 $0x1;
	p0 =	seq.s32 s7, s2  }
0x1e: {  	s7 =	smul.u32 @!p0 $0xF7A, s2;
	p2 =	seq.s32 @!p0 s5, $0x0  }
0x1f: {  	s9 =	smul.u32 $0xF7A, s1;
	s8 =	simm.s32 @!p0 $0x1BF5;
	p2 =	por !p2, p0  }
0x20: {  	[sflag:s8] =	ssyncset.s32 @!p0 $0xFFFFF086;
	s6 =	sadd.s32 @!p0 s3, s7;
	s7 =	simm.s32 @!p0 $0x108  }
0x21: {  	s3 =	sadd.s32 s3, s9;
	s6 =	sadd.s32 @!p0 $0x88, s6;
	s7 =	simm.s32 @p2 $0x1082  }
0x22: {  	[simem:s7], [sflag:s8] =	dma.local @!p0 [hbm:s6], $0xF7A  }
0x23: {  	s9 =	sor.u32 $0xD0000000, s2;
	s6 =	simm.s32 $0x108;
	_ =	swait.ge @!p0 [sflag:s8], $0x0  }
0x24: {  	s3 =	sadd.s32 $0x88, s3;
	s6 =	simm.s32 @!p1 $0x1082;
	[sflag:s4] =	ssyncset.s32 $0xFFFFF086  }
0x25: {  	[simem:s6], [sflag:s4] =	dma.local [hbm:s3], $0xF7A  }
0x26: {  	[smem:$0x3F8A] =	sst s1;
	(tag) =	ssettag s2;
	_ =	strace s9  }
0x27: {  	s1 =	sld [smem:$0x3F9A]  }
0x28: {  	s2 =	sld [smem:$0x3F9B]  }
0x29: {  	s4 =	sld [smem:$0x3F9D]  }
0x2a: {  	p0 =	seq.s32 s5, $0x0;
	s5 =	sld [smem:$0x3F9E]  }
0x2b: {  	s6 =	sld [smem:$0x3F9F]  }
0x2c: {  	s7 =	sld [smem:$0x3FA0]  }
0x2d: {  	s3 =	simm.s32 $0x108;
	s8 =	sld [smem:$0x3FA1]  }
0x2e: {  	s3 =	simm.s32 @!p0 $0x1082;
	s9 =	sld [smem:$0x3FA2]  }
0x2f: {  	lr =	sadd.s32 s0, s3;
	s0 =	sld [smem:$0x3F99]  }
0x30: {  	s3 =	sld [smem:$0x3F9C]  }
0x31: {  	[smem:$0x3FA5] =	sst s10  }
0x32: {  	s10 =	sld [smem:$0x3FA3];
	_ =	sdelay $0x3  }
0x33: {  	p0 =	seq.s32 s10, $0x1;
	s10 =	sld [smem:$0x3FA5];
	_ =	sdelay $0x3  }
0x34: {  	[smem:$0x3FA5] =	sst s10  }
0x35: {  	s10 =	sld [smem:$0x3FA4];
	_ =	sdelay $0x3  }
0x36: {  	p1 =	seq.s32 s10, $0x1;
	s10 =	sld [smem:$0x3FA5];
	_ =	sdelay $0x3  }
0x37: {  	[smem:$0x3FA5] =	sst s10  }
0x38: {  	s10 =	sld [smem:$0x3FA6]  }
0x39: {  	_ = 	snop;
	(pc) =	sbr.ind lr, $3  }
0x3a: {  	_ = 	snop  }
0x3b: {  	_ = 	snop  }
0x3c: {  	p2 =	seq.s32 s10, $0x1;
	s10 =	sld [smem:$0x3FA5]  }
0x3d: {  	_ =	shalt  }
0x3e: {  	_ =	shalt  }
0x3f: {  	_ =	shalt  }
0x40: {  	_ =	shalt  }
0x41: {  	_ =	shalt  }
0x42: {  	_ =	shalt  }
0x43: {  	_ =	shalt  }
0x44: {  	_ =	shalt  }
0x45: {  	_ =	shalt  }
0x46: {  	_ =	shalt  }
0x47: {  	_ =	shalt  }
0x48: {  	_ =	shalt  }
0x49: {  	_ =	shalt  }
0x4a: {  	_ =	shalt  }
0x4b: {  	_ =	shalt  }
0x4c: {  	_ =	shalt  }
0x4d: {  	_ =	shalt  }
0x4e: {  	_ =	shalt  }
0x4f: {  	_ =	shalt  }
0x50: {  	_ =	shalt  }
0x51: {  	_ =	shalt  }
0x52: {  	_ =	shalt  }
0x53: {  	_ =	shalt  }
0x54: {  	_ =	shalt  }
0x55: {  	_ =	shalt  }
0x56: {  	_ =	shalt  }
0x57: {  	_ =	shalt  }
0x58: {  	_ =	shalt  }
0x59: {  	_ =	shalt  }
0x5a: {  	_ =	shalt  }
0x5b: {  	_ =	shalt  }
0x5c: {  	_ =	shalt  }
0x5d: {  	_ =	shalt  }
0x5e: {  	_ =	shalt  }
0x5f: {  	_ =	shalt  }
0x60: {  	_ =	shalt  }
0x61: {  	_ =	shalt  }
0x62: {  	_ =	shalt  }
0x63: {  	_ =	shalt  }
0x64: {  	_ =	shalt  }
0x65: {  	_ =	shalt  }
0x66: {  	_ =	shalt  }
0x67: {  	_ =	shalt  }
0x68: {  	_ =	shalt  }
0x69: {  	_ =	shalt  }
0x6a: {  	_ =	shalt  }
0x6b: {  	_ =	shalt  }
0x6c: {  	_ =	shalt  }
0x6d: {  	_ =	shalt  }
0x6e: {  	_ =	shalt  }
0x6f: {  	_ =	shalt  }
0x70: {  	_ =	shalt  }
0x71: {  	_ =	shalt  }
0x72: {  	_ =	shalt  }
0x73: {  	_ =	shalt  }
0x74: {  	_ =	shalt  }
0x75: {  	_ =	shalt  }
0x76: {  	_ =	shalt  }
0x77: {  	_ =	shalt  }
0x78: {  	_ =	shalt  }
0x79: {  	_ =	shalt  }
0x7a: {  	_ =	shalt  }
0x7b: {  	_ =	shalt  }
0x7c: {  	_ =	shalt  }
0x7d: {  	_ =	shalt  }
0x7e: {  	_ =	shalt  }
0x7f: {  	_ =	shalt  }
0x80: {  	_ =	shalt  }
0x81: {  	_ =	shalt  }
0x82: {  	_ =	shalt  }
0x83: {  	_ =	shalt  }
0x84: {  	_ =	shalt  }
0x85: {  	_ =	shalt  }
0x86: {  	_ =	shalt  }
0x87: {  	_ =	shalt  }
.Lfunc_end0:
.L_simem_size_0:
called_computation_lowered:
.L_overlay_start_0:
0x88: {  	s2 =	sld [smem:$0x3FD9]  }
0x89: {  	s3 =	sld [smem:$0x3FFE];
	_ =	sdelay $0x1  }
0x8a: {  	s1 =	srdreg.scid  }
0x8b: {  	s0 =	sand.u32 $0x1, s1  }
0x8c: {  	s17 =	sshll.u32 s0, $0xA;
	s2 =	sadd.s32 s3, s2  }
0x8d: {  	s2 =	sadd.s32 s2, s17  }
0x8e: {  	[smem:$0x3FB1] =	sst s2  }
0x8f: {  	_ = 	snop  }
0x90: {  	s2 =	sld [smem:$0x3FC6]  }
0x91: {  	s18 =	sld [smem:$0x3FD0];
	(tm) =	ssettm $0x1  }
0x92: {  	s4 =	sld [smem:$0x3FFB];
	_ =	sdelay $0x3  }
0x93: {  	_ =	strace s4  }
0x94: {  	s4 =	sld [smem:$0x3FFC];
	_ =	sdelay $0x3  }
0x95: {  	_ =	strace s4  }
0x96: {  	s4 =	sld [smem:$0x3FFD];
	_ =	sdelay $0x3  }
0x97: {  	_ =	strace s4  }
0x98: {  	_ =	strace $0x8FFFFFFF  }
0x99: {  	s19 =	sld [smem:$0x3FDB];
	_ =	sdelay $0x1  }
0x9a: {  	s5 =	simm.s32 $_scs_section_size  }
0x9b: {  	s6 =	simm.s32 $_size__tile_overlayer_lowered;
	s7 =	simm.s32 $_tile_overlayer_lowered  }
0x9c: {  	s22 =	simm.s32 $0x1BFF;
	s21 =	sshll.u32 s7, $0x1;
	s4 =	sadd.s32 s5, s19  }
0x9d: {  	s8 =	simm.s32 $0x0;
	s20 =	sshll.u32 s6, $0x1;
	s6 =	sadd.s32 s21, s4  }
0x9e: {  	[timem:s8], [sflag:s22] =	dma.local [hbm:s6], s20  }
0x9f: {  	_ =	swait.ge [sflag:s22], s20  }
0xa0: {  	s5 =	ssub.s32 $0x0, s20;
	[sflag:s22] =	ssyncset.done $0x0  }
0xa1: {  	[sflag:s22] =	ssyncadd.s32 s5;
	_ =	sdelay $0x1  }
0xa2: {  	s23 =	simm.s32 $0x1B8B  }
0xa3: {  	_ =	swait.ge [sflag:s23], $0x1  }
0xa4: {  	[sflag:s23] =	ssyncset.done $0x0  }
0xa5: {  	s25 =	simm.s32 $0x1B8E;
	s24 =	sld [smem:$0x3FFE];
	[sflag:s23] =	ssyncadd.s32 $0xFFFFFFFF  }
0xa6: {  	s26 =	simm.s32 $execute0_lowered;
	[smem:$0x3FD2] =	sst s25  }
0xa7: {  	s6 =	sshll.u32 s26, $0x1;
	_ =	strace $0x80000046;
	[dreg:$0x1] =	wrdreg $0xFFFFFFFF  }
0xa8: {  	s28 =	simm.s32 $_size_execute0_lowered;
	s4 =	sadd.s32 s4, s6;
	[dreg:$0x0] =	wrdreg $0x0  }
0xa9: {  	s6 =	sshll.u32 s28, $0x1;
	[dreg:$0x2] =	wrdreg s4  }
0xaa: {  	[dreg:$0x3] =	wrdreg s6  }
0xab: {  	[dreg:$0x4] =	wrdreg $0xC0  }
0xac: {  	_ =	task [dreg:s8], $0x5FFFF  }
0xad: {  	[dreg:$0x1] =	wrdreg $0xFFFFFFFF  }
0xae: {  	[dreg:$0x0] =	wrdreg $0x60  }
0xaf: {  	[dreg:$0x2] =	wrdreg s24  }
0xb0: {  	[dreg:$0x3] =	wrdreg s2  }
0xb1: {  	[dreg:$0x4] =	wrdreg s18  }
0xb2: {  	[dreg:$0x5] =	wrdreg $0x0  }
0xb3: {  	[dreg:$0x6] =	wrdreg $0x9  }
0xb4: {  	_ =	task.clear_ibuf [dreg:s8], $0x7FFFF;
	_ =	strace $0x90000046  }
0xb5: {  	s29 =	simm.s32 $0x9;
	_ =	strace $0x80000048  }
0xb6: {  	_ =	swait.ge [sflag:s29], $0x1  }
0xb7: {  	[sflag:s29] =	ssyncadd.s32 $0xFFFFFFFF  }
0xb8: {  	_ =	strace $0x90000048  }
0xb9: {  	_ =	sfence  }
0xba: {  	s30 =	sld [smem:$0x0];
	_ =	sdelay $0x2  }
0xbb: {  	s31 =	sshll.u32 s1, $0xD;
	s1 =	sshrl.u32 s1, $0x2  }
0xbc: {  	s3 =	sand.u32 $0x4000, s31;
	s1 =	sadd.s32 s1, s30  }
0xbd: {  	s0 =	sor.u32 s3, s0;
	s1 =	sshll.u32 s1, $0x11  }
0xbe: {  	s0 =	sor.u32 s1, s0  }
0xbf: {  	s0 =	sadd.s32 $0x8F2B, s0  }
0xc0: {  	[sflag:s0] =	ssyncadd.remote.s32 $0x1  }
0xc1: {  	_ =	sfence.sel $0xFFFF  }
0xc2: {  	[dreg:$0x0] =	wrdreg $0xFFFFFFFF;
	(pc) =	sbr.abs _section_cstart, $3  }
0xc3: {  	[dreg:$0x1] =	wrdreg $0xFFFFFFFF  }
0xc4: {  	_ =	task.clear_ibuf [dreg:s8], $0x2FFFF;
	_ =	strace $0x9FFFFFFF  }
0xc5: {  	(tm) =	ssettm $0x7FFFFFFF  }
tec
execute0_lowered:
.L_overlay_start_1:
0x0: {  	(tag) =	ssettag $0x1  }
0x1: {  	s2 =	rddreg [dreg:$0x0]  }
0x2: {  	s0 =	srdreg.scid;
	s1 =	rddreg [dreg:$0x1]  }
0x3: {  	s18 =	stileid.u32;
	s7 =	rddreg [dreg:$0x2];
	s23 =	simm.s32 $0x0  }
0x4: {  	s13 =	simm.s32 $0x5;
	s14 =	simm.s32 $0x50;
	s15 =	simm.s32 $0x1A000  }
0x5: {  	s16 =	simm.s32 $0x138D0;
	s17 =	simm.s32 $0x1C800;
	s21 =	simm.s32 $0x1  }
0x6: {  	s22 =	simm.s32 $0x2;
	s28 =	simm.s32 $0x15F40;
	s29 =	simm.s32 $0x19E00  }
0x7: {  	s30 =	simm.s32 $0x0;
	s0 =	sand.u32 $0x1, s0;
	s3 =	sshrl.u32 s18, $0x3  }
0x8: {  	s6 =	sshll.u32 s18, $0x7;
	s8 =	smul.u32 $0x13800, s18;
	[smem:$0x7FF] =	sst s23  }
0x9: {  	s9 =	sshll.u32 s18, $0xB;
	s12 =	smul.u32 $0x4E000, s18;
	s31 =	sshll.u32 s18, $0x6  }
0xa: {  	s18 =	simm.s32 $0x16000;
	s23 =	simm.s32 $0x3;
	s4 =	smul.u32 $0x27800, s0  }
0xb: {  	s5 =	smul.u32 $0x13C00, s3;
	s3 =	rddreg [dreg:$0x3];
	s6 =	sand.u32 $0x380, s6  }
0xc: {  	s24 =	smul.u32 $0x138800, s0;
	_ =	strace $0x80000047;
	s9 =	sadd.s32 s9, s2  }
0xd: {  	s10 =	ssub.s32 $0x2, s0;
	s0 =	sshll.u32 s0, $0xF;
	s19 =	sor.u32 $0x1C05, s31  }
0xe: {  	s11 =	sshrl.u32 s10, $0x1;
	s0 =	sadd.s32 s0, s9;
	s25 =	sshrl.u32 s12, $0x2  }
0xf: {  	s12 =	simm.s32 $0x13880;
	s5 =	sadd.s32 s4, s5;
	s10 =	ssub.s32 s10, s11  }
0x10: {  	s26 =	sadd.s32 s25, s3;
	s11 =	simm.s32 $0x400;
	s25 =	simm.s32 $0x19D00  }
0x11: {  	s5 =	sor.u32 s6, s5;
	s6 =	sadd.s32 s8, s24;
	s8 =	sshrl.u32 s8, $0x3  }
0x12: {  	s9 =	smax.u32 s10, $0x1;
	s20 =	sshrl.u32 s26, $0x3;
	s24 =	simm.s32 $0x4  }
0x13: {  	s26 =	simm.s32 $0x19D80;
	s5 =	sshrl.u32 s5, $0x3;
	s6 =	sshrl.u32 s6, $0x3  }
0x14: {  	s7 =	sadd.s32 s7, s8;
	s5 =	sadd.s32 s5, s2;
	s2 =	sadd.s32 s6, s2  }
0x15: {  	s6 =	sadd.s32 $0xD800, s0;
	s5 =	sadd.s32 $0x3A00, s5;
	s8 =	sadd.s32 $0x1D800, s2  }
.LBB2_1:
0x16: {  	s0 =	simm.s32 $0x80  }
0x17: {  	[tilespmem:s12], [sflag:$0x5] =	stream.strided.gather [hbm4b:s5+s0], $0x2780, s11, s0, $0x38;
	[tilespmem:$0x1F000] =	vst v63  }
0x18: {  	_ =	swait.ge [sflag:s13], $0x2780  }
0x19: {  	[sflag:s13] =	ssyncset.done $0x0  }
0x1a: {  	[sflag:s13] =	ssyncadd.s32 $0xFFFFD880  }
0x1b: {  	[tilespmem:s15], [sflag:$0x1] =	stream.indirect.gather [hbm4b:s1+s14], $0x80, s12, s14, $0xb8;
	[tilespmem:$0x1F000] =	vst v63  }
0x1c: {  	_ = 	snop  }
0x1d: {  	[tilespmem:s17], [sflag:$0x2] =	stream.indirect.gather [hbm4b:s1+s14], $0x80, s16, s14, $0xb8;
	[tilespmem:$0x1F000] =	vst v63  }
0x1e: {  	s10 =	simm.s32 $0x0  }
0x1f: {  	[tilespmem:s18], [sflag:$0x5] =	stream.linear.gather [hbm4b:s6+s10], $0x3E80, $0x38;
	[tilespmem:$0x1F000] =	vst v63  }
0x20: {  	_ =	swait.ge [sflag:s13], $0x3E80  }
0x21: {  	[sflag:s13] =	ssyncset.done $0x0  }
0x22: {  	[sflag:s13] =	ssyncadd.s32 $0xFFFFC180  }
0x23: {  	[spmem:s20], [sflag:s19] =	dma.local [hbm:s7], $0x2800  }
0x24: {  	_ =	swait.ge [sflag:s13], $0x2800  }
0x25: {  	[sflag:s13] =	ssyncset.done $0x0  }
0x26: {  	[sflag:s13] =	ssyncadd.s32 $0xFFFFD800  }
0x27: {  	[bflag:$0x0] =	sbarrier.arrive $0xFFFF  }
0x28: {  	_ =	swait.ge [sflag:s21], $0x2800  }
0x29: {  	[sflag:s21] =	ssyncset.done $0x0  }
0x2a: {  	s2 =	simm.s32 $0x16000;
	[sflag:s21] =	ssyncadd.s32 $0xFFFFD800  }
0x2b: {  	[spmem:s3] =	stream.indirect.scatter.add.f32 [tilespmem:s15], [sflag:$0x3], $0x80, s2, s14, $0xb8;
	[tilespmem:$0x1F000] =	vst v63  }
0x2c: {  	_ =	swait.ge [sflag:s22], $0x2800  }
0x2d: {  	[sflag:s22] =	ssyncset.done $0x0  }
0x2e: {  	s4 =	simm.s32 $0x16080;
	[sflag:s22] =	ssyncadd.s32 $0xFFFFD800  }
0x2f: {  	[spmem:s3] =	stream.indirect.scatter.add.f32 [tilespmem:s17], [sflag:$0x4], $0x80, s4, s14, $0xb8;
	[tilespmem:$0x1F000] =	vst v63  }
0x30: {  	_ =	swait.ge [sflag:s23], $0x2800  }
0x31: {  	[sflag:s23] =	ssyncset.done $0x0  }
0x32: {  	s10 =	simm.s32 $0x13920;
	[sflag:s23] =	ssyncadd.s32 $0xFFFFD800  }
0x33: {  	[tilespmem:s15], [sflag:$0x1] =	stream.indirect.gather [hbm4b:s1+s14], $0x80, s10, s14, $0xb8;
	[tilespmem:$0x1F000] =	vst v63  }
0x34: {  	_ =	swait.ge [sflag:s24], $0x2800  }
0x35: {  	s31 =	simm.s32 $0x13970;
	[sflag:s24] =	ssyncset.done $0x0  }
0x36: {  	s0 =	simm.s32 $0x13A10;
	s2 =	simm.s32 $0x400;
	[sflag:s24] =	ssyncadd.s32 $0xFFFFD800  }
.LBB2_2:
0x37: {  	[tilespmem:s17], [sflag:$0x2] =	stream.indirect.gather [hbm4b:s1+s14], $0x80, s31, s14, $0xb8;
	[tilespmem:$0x1F000] =	vst v63  }
0x38: {  	s4 =	smov.u32 s2;
	s31 =	smov.u32 s0  }
0x39: {  	p0 =	sne.s32 s2, $0xF000;
	s2 =	sadd.s32 $0x400, s2;
	_ =	swait.ge [sflag:s21], $0x2800  }
0x3a: {  	s4 =	sshra.s32 s4, $0x2;
	[sflag:s21] =	ssyncset.done $0x0  }
0x3b: {  	s10 =	sadd.s32 $0x16000, s4;
	[sflag:s21] =	ssyncadd.s32 $0xFFFFD800  }
0x3c: {  	[spmem:s3] =	stream.indirect.scatter.add.f32 [tilespmem:s15], [sflag:$0x3], $0x80, s10, s14, $0xb8;
	[tilespmem:$0x1F000] =	vst v63  }
0x3d: {  	_ =	swait.ge [sflag:s22], $0x2800  }
0x3e: {  	[sflag:s22] =	ssyncset.done $0x0  }
0x3f: {  	s4 =	sadd.s32 $0x16080, s4;
	[sflag:s22] =	ssyncadd.s32 $0xFFFFD800  }
0x40: {  	[spmem:s3] =	stream.indirect.scatter.add.f32 [tilespmem:s17], [sflag:$0x4], $0x80, s4, s14, $0xb8;
	[tilespmem:$0x1F000] =	vst v63  }
0x41: {  	_ =	swait.ge [sflag:s23], $0x2800  }
0x42: {  	[sflag:s23] =	ssyncset.done $0x0  }
.Ltmp0:
0x43: {  	s4 =	sadd.s32 $0xFFFFFFB0, s0;
	[sflag:s23] =	ssyncadd.s32 $0xFFFFD800;
	(pc) =	sbr.rel @p0 .LBB2_2-.Ltmp0, $4  }
0x44: {  	[tilespmem:s15], [sflag:$0x1] =	stream.indirect.gather [hbm4b:s1+s14], $0x80, s4, s14, $0xb8;
	[tilespmem:$0x1F000] =	vst v63  }
0x45: {  	_ =	swait.ge [sflag:s24], $0x2800  }
0x46: {  	[sflag:s24] =	ssyncset.done $0x0  }
0x47: {  	s0 =	sadd.s32 $0xA0, s0;
	[sflag:s24] =	ssyncadd.s32 $0xFFFFD800  }
0x48: {  	[tilespmem:s17], [sflag:$0x2] =	stream.indirect.gather [hbm4b:s1+s14], $0x80, s31, s14, $0xb8;
	[tilespmem:$0x1F000] =	vst v63  }
0x49: {  	_ =	swait.ge [sflag:s21], $0x2800  }
0x4a: {  	[sflag:s21] =	ssyncset.done $0x0  }
0x4b: {  	[sflag:s21] =	ssyncadd.s32 $0xFFFFD800  }
0x4c: {  	[spmem:s3] =	stream.indirect.scatter.add.f32 [tilespmem:s15], [sflag:$0x3], $0x80, s25, s14, $0xb8;
	[tilespmem:$0x1F000] =	vst v63  }
0x4d: {  	_ =	swait.ge [sflag:s22], $0x2800  }
0x4e: {  	[sflag:s22] =	ssyncset.done $0x0  }
0x4f: {  	[sflag:s22] =	ssyncadd.s32 $0xFFFFD800  }
0x50: {  	[spmem:s3] =	stream.indirect.scatter.add.f32 [tilespmem:s17], [sflag:$0x4], $0x80, s26, s14, $0xb8;
	[tilespmem:$0x1F000] =	vst v63  }
0x51: {  	_ =	swait.ge [sflag:s23], $0x2800  }
0x52: {  	[sflag:s23] =	ssyncset.done $0x0  }
0x53: {  	[sflag:s23] =	ssyncadd.s32 $0xFFFFD800  }
0x54: {  	[tilespmem:s15], [sflag:$0x1] =	stream.indirect.gather [hbm4b:s1+s14], $0x80, s28, s14, $0xb8;
	[tilespmem:$0x1F000] =	vst v63  }
0x55: {  	_ =	swait.ge [sflag:s21], $0x2800  }
0x56: {  	[sflag:s21] =	ssyncset.done $0x0  }
0x57: {  	[sflag:s21] =	ssyncadd.s32 $0xFFFFD800  }
0x58: {  	[spmem:s3] =	stream.indirect.scatter.add.f32 [tilespmem:s15], [sflag:$0x3], $0x80, s29, s14, $0xb8;
	[tilespmem:$0x1F000] =	vst v63  }
0x59: {  	_ =	swait.ge [sflag:s23], $0x2800  }
0x5a: {  	[sflag:s23] =	ssyncset.done $0x0  }
0x5b: {  	[sflag:s23] =	ssyncadd.s32 $0xFFFFD800  }
0x5c: {  	_ =	swait.ge [sflag:s24], $0x2800  }
0x5d: {  	s30 =	sadd.s32 $0x1, s30;
	[sflag:s24] =	ssyncset.done $0x0  }
0x5e: {  	p0 =	sne.s32 s30, s9;
	[sflag:s24] =	ssyncadd.s32 $0xFFFFD800  }
.Ltmp1:
0x5f: {  	[bflag:$0x0] =	sbarrier.arrive $0xFFFF;
	(pc) =	sbr.rel @p0 .LBB2_1-.Ltmp1, $4  }
0x60: {  	[hbm:s8], [sflag:s19] =	dma.local [spmem:s20], $0x2800  }
0x61: {  	_ =	swait.ge [sflag:s13], $0x2800  }
0x62: {  	[sflag:s13] =	ssyncset.done $0x0  }
0x63: {  	[sflag:s13] =	ssyncadd.s32 $0xFFFFD800  }
0x64: {  	_ =	sfence.sel $0x180000  }
0x65: {  	[bflag:$0x0] =	sbarrier.arrive $0xFFFF  }
0x66: {  	_ =	strace $0x90000047  }
0x67: {  	s0 =	stileid.u32;
	[bflag:$0x2] =	sbarrier.arrive $0xFFFF  }
0x68: {  	p0 =	sne.s32 s0, $0x0;
	s0 =	rddreg [dreg:$0x4]  }
0x69: {  	s0 =	sadd.s32 @!p0 $0x100000, s0  }
0x6a: {  	[sflag:s0] =	ssyncadd.tile.s32 @!p0 $0x1;
	_ =	shalt  }
.Lfunc_end2:
_tile_overlayer_lowered:
.L_overlay_start_2:
0x6b: {  	(tag) =	ssettag $0x2  }
0x6c: {  	s0 =	rddreg [dreg:$0x0];
	s2 =	stileid.u32  }
0x6d: {  	s1 =	rddreg [dreg:$0x1];
	p0 =	sne.s32 s2, $0x0  }
0x6e: {  	s3 =	rddreg [dreg:$0x2];
	[bflag:$0x3] =	sbarrier.arrive $0xFFFF;
	s2 =	simm.s32 @!p0 $0x1C05  }
0x6f: {  	[timem:s3], [sflag:s2] =	dma.local @!p0 [hbm:s0], s1  }
0x70: {  	s0 =	simm.s32 @!p0 $0x5  }
0x71: {  	_ =	swait.ge @!p0 [sflag:s0], s1  }
0x72: {  	s1 =	ssub.s32 @!p0 $0x0, s1;
	[sflag:s0] =	ssyncset.done @!p0 $0x0  }
0x73: {  	[sflag:s0] =	ssyncadd.s32 @!p0 s1  }
0x74: {  	[bflag:$0x3] =	sbarrier.arrive $0xFFFF  }
0x75: {  	_ =	shalt  }

</sc_bundles>
